<compile_context>
chip_gen: v7x
topology: tpu7x:2x2x1
jax: 0.10.2.dev20260603
libtpu: 0.0.44.dev20260713+nightly
codegen_flags: <defaults>
</compile_context>

<pallas_src>
import functools

import jax
import jax.numpy as jnp
from jax import lax
from jax.experimental import pallas as pl
from jax.experimental.pallas import tpu as pltpu
from jax.experimental.pallas import tpu_sc as plsc

EMB_D = 768
KEY_D = 768
POOL = 100
P_LEN = 8
TOP_K = 5
B = 32
CLS = 50
TOK = 77
PREFIX = 1
MID = P_LEN * TOP_K
ROW_D = P_LEN * EMB_D
IDX_PAD = 128
GATH = 8


def _l2n(x):
    n = jnp.linalg.norm(x, axis=1, keepdims=True)
    return x / jnp.clip(n, 1e-12)


def _topk_body(q_ref, k_ref, idx_ref):
    s = lax.dot_general(
        q_ref[:], k_ref[:], (((1,), (1,)), ((), ())),
        preferred_element_type=jnp.float32,
    )
    col = lax.broadcasted_iota(jnp.int32, s.shape, 1)
    parts = []
    for _ in range(TOP_K):
        m = jnp.max(s, axis=1, keepdims=True)
        amax = jnp.min(jnp.where(s == m, col, POOL), axis=1)
        parts.append(amax[:, None])
        s = jnp.where(col == amax[:, None], -jnp.inf, s)
    parts.append(jnp.zeros((B, IDX_PAD - TOP_K), jnp.int32))
    idx_ref[:] = jnp.concatenate(parts, axis=1)


def _asm_xb_body(xb_ref, out_ref):
    i = pl.program_id(0)
    t = jnp.where(i == 0, 0, i + MID)
    slab = xb_ref[:, t, :]
    for b in range(B):
        out_ref[0, b * CLS:(b + 1) * CLS, :] = slab


def _asm_sel_body(prev_ref, sel_ref, out_ref):
    del prev_ref
    j = pl.program_id(0)
    v = sel_ref[:, j, :]
    for b in range(B):
        out_ref[0, b * CLS:(b + 1) * CLS, :] = jnp.broadcast_to(
            v[b][None, :], (CLS, EMB_D))


def kernel(x_querry, x_block, prompt_tokens, key_tokens):
    n_k = _l2n(key_tokens)
    q_n = lax.stop_gradient(_l2n(x_querry))
    k_idx = pl.pallas_call(
        _topk_body,
        out_shape=jax.ShapeDtypeStruct((B, IDX_PAD), jnp.int32),
    )(q_n, n_k)

    info = plsc.get_sparse_core_info()
    nc = info.num_cores

    mesh = plsc.VectorSubcoreMesh(core_axis_name="c", subcore_axis_name="s")

    @functools.partial(
        pl.kernel,
        out_type=jax.ShapeDtypeStruct((B, GATH, ROW_D), jnp.float32),
        mesh=mesh,
        scratch_types=[
            pltpu.VMEM((GATH,), jnp.int32),
            pltpu.VMEM((GATH, ROW_D), jnp.float32),
            pltpu.SemaphoreType.DMA,
        ],
    )
    def _gather_sel(idx_hbm, prompt_hbm, out_hbm, idx8_v, rows_v, sem):
        b = lax.axis_index("s") * nc + lax.axis_index("c")
        pltpu.sync_copy(idx_hbm.at[b, pl.ds(0, GATH)], idx8_v)
        pltpu.async_copy(prompt_hbm.at[idx8_v], rows_v, sem).wait()
        pltpu.sync_copy(rows_v, out_hbm.at[b])

    sel = _gather_sel(k_idx, prompt_tokens.reshape(POOL, ROW_D))

    out_shape = jax.ShapeDtypeStruct((TOK, B * CLS, EMB_D), jnp.float32)
    out_xb = pl.pallas_call(
        _asm_xb_body,
        grid=(TOK - MID,),
        in_specs=[pl.BlockSpec((CLS, TOK, EMB_D), lambda i: (0, 0, 0))],
        out_specs=pl.BlockSpec(
            (1, B * CLS, EMB_D),
            lambda i: (jnp.where(i == 0, 0, i + MID), 0, 0)),
        out_shape=out_shape,
    )(x_block)
    out77 = pl.pallas_call(
        _asm_sel_body,
        grid=(MID,),
        in_specs=[
            pl.BlockSpec(memory_space=pl.ANY),
            pl.BlockSpec((B, GATH * P_LEN, EMB_D), lambda j: (0, 0, 0)),
        ],
        out_specs=pl.BlockSpec(
            (1, B * CLS, EMB_D), lambda j: (j + PREFIX, 0, 0)),
        out_shape=out_shape,
        input_output_aliases={0: 0},
    )(out_xb, sel.reshape(B, GATH * P_LEN, EMB_D))
    return out77.transpose(1, 0, 2)

# --- scband reference (transcript-rebuilt; emitter-appended) ---
"""Pipeline reference for scband-attri-clip-prompt-83150566851274 (READ-ONLY COPY).

The authoritative reference and input builder live on the scoring server;
editing this copy changes nothing except your own understanding.
"""

import jax, jax.numpy as jnp
import numpy as np

EMB_D = 768
KEY_D = 768
POOL = 100
P_LEN = 8
TOP_K = 5
B = 32
CLS = 50
TOK = 77


def _l2norm(x, axis):
    n = jnp.linalg.norm(x, axis=axis, keepdims=True)
    return x / jnp.clip(n, 1e-12)


def setup_inputs(seed: int = 0) -> dict:
    key = jax.random.key(seed)
    k1, k2, k3, k4 = jax.random.split(key, 4)
    x_querry = jax.random.normal(k1, (B, KEY_D), dtype=jnp.float32)
    x_block = jax.random.normal(k2, (CLS, TOK, EMB_D), dtype=jnp.float32)
    # nn.init.uniform_ default is U(0,1)
    prompt_tokens = jax.random.uniform(k3, (POOL, P_LEN, EMB_D), dtype=jnp.float32)
    key_tokens = jax.random.uniform(k4, (POOL, KEY_D), dtype=jnp.float32)
    return {
        "x_querry": x_querry,
        "x_block": x_block,
        "prompt_tokens": prompt_tokens,
        "key_tokens": key_tokens,
    }


def reference(x_querry, x_block, prompt_tokens, key_tokens):
    batch_size, feat_dim = x_querry.shape
    cls_num, token_len, embed_dim = x_block.shape
    n_K = _l2norm(key_tokens, 1)
    q = jax.lax.stop_gradient(_l2norm(x_querry, 1))  # .detach() in torch
    cos_sim = jnp.einsum('bj,kj->bk', q, n_K)
    _, k_idx = jax.lax.top_k(cos_sim, TOP_K)  # [B, top_k]
    selected_prompt = jnp.take(prompt_tokens, k_idx, axis=0).reshape(batch_size, -1, EMB_D)  # [B, top_k*p_len, emb_d]
    x_block_prefix = x_block[:, :1, :]
    x_block_suffix = x_block[:, 1 + P_LEN * TOP_K:, :]
    out = jnp.concatenate([
        jnp.broadcast_to(x_block_prefix[None, :, :, :], (batch_size, cls_num, 1, embed_dim)),
        jnp.broadcast_to(selected_prompt[:, None, :, :], (batch_size, cls_num, P_LEN * TOP_K, embed_dim)),
        jnp.broadcast_to(x_block_suffix[None, :, :, :], (batch_size, cls_num, token_len - 1 - P_LEN * TOP_K, embed_dim)),
    ], axis=2)
    out = out.reshape(batch_size * cls_num, -1, embed_dim)
    return out

if __name__ == "__main__":
    import jax
    _d = setup_inputs()
    print(jax.jit(kernel)(*tuple(_d.values())))

</pallas_src>

<mosaic_0001>
#map = affine_map<(d0, d1) -> (0, 0)>
#map1 = affine_map<(d0, d1) -> (0, 0, 0)>
module attributes {stable_mosaic.version = 14 : i64} {
  func.func @_gather_sel(%arg0: i32, %arg1: i32, %arg2: memref<32x128xi32, #tpu.memory_space<hbm>>, %arg3: memref<100x6144xf32, #tpu.memory_space<hbm>>, %arg4: memref<32x8x6144xf32, #tpu.memory_space<hbm>>, %arg5: memref<8xi32, #tpu.memory_space<vmem>>, %arg6: memref<8x6144xf32, #tpu.memory_space<vmem>>, %arg7: memref<!tpu.dma_semaphore, #tpu.memory_space<semaphore_mem>>) attributes {dimension_semantics = [#tpu.dimension_semantics<core_parallel>, #tpu.dimension_semantics<subcore_parallel>], iteration_bounds = array<i64: 2, 16>, scalar_prefetch = 0 : i64, scratch_operands = 3 : i64, tpu.core_type = #tpu.core_type<sc_vector_subcore>, window_params = [{transform_indices = #map}, {transform_indices = #map}, {transform_indices = #map1}]} {
    %mul3A = arith.constant 2 : i32
    %mul3A_0 = arith.muli %arg1, %mul3A : i32
    %add3A = arith.addi %mul3A_0, %arg0 : i32
    "tpu.region"() ({
      %run_scoped3A = tpu.sem_alloc : memref<!tpu.dma_semaphore, #tpu.memory_space<semaphore_mem>>
      %dma_start3A_5 = arith.constant 0 : i32
      %dma_start3A_6 = tpu.memref_slice %arg2[%add3A, %dma_start3A_5] : memref<32x128xi32, #tpu.memory_space<hbm>> -> memref<1x8xi32, #tpu.memory_space<hbm>>
      %dma_start3A_7 = tpu.memref_squeeze %dma_start3A_6 : memref<1x8xi32, #tpu.memory_space<hbm>> -> memref<8xi32, #tpu.memory_space<hbm>>
      %dma_start3A_8 = arith.constant 0 : i32
      %dma_start3A_9 = tpu.memref_slice %arg2[%add3A, %dma_start3A_8] : memref<32x128xi32, #tpu.memory_space<hbm>> -> memref<1x8xi32, #tpu.memory_space<hbm>>
      %dma_start3A_10 = tpu.memref_squeeze %dma_start3A_9 : memref<1x8xi32, #tpu.memory_space<hbm>> -> memref<8xi32, #tpu.memory_space<hbm>>
      tpu.enqueue_dma source(%dma_start3A_10 : memref<8xi32, #tpu.memory_space<hbm>>) target(%arg5 : memref<8xi32, #tpu.memory_space<vmem>>) target_semaphore(%run_scoped3A : memref<!tpu.dma_semaphore, #tpu.memory_space<semaphore_mem>>)
      %dma_wait3A_11 = arith.constant 0 : i32
      %dma_wait3A_12 = tpu.memref_slice %arg2[%add3A, %dma_wait3A_11] : memref<32x128xi32, #tpu.memory_space<hbm>> -> memref<1x8xi32, #tpu.memory_space<hbm>>
      %dma_wait3A_13 = tpu.memref_squeeze %dma_wait3A_12 : memref<1x8xi32, #tpu.memory_space<hbm>> -> memref<8xi32, #tpu.memory_space<hbm>>
      %dma_wait3A_14 = arith.constant 0 : i32
      %dma_wait3A_15 = tpu.memref_slice %arg2[%add3A, %dma_wait3A_14] : memref<32x128xi32, #tpu.memory_space<hbm>> -> memref<1x8xi32, #tpu.memory_space<hbm>>
      %dma_wait3A_16 = tpu.memref_squeeze %dma_wait3A_15 : memref<1x8xi32, #tpu.memory_space<hbm>> -> memref<8xi32, #tpu.memory_space<hbm>>
      tpu.wait_dma2 semaphore(%run_scoped3A : memref<!tpu.dma_semaphore, #tpu.memory_space<semaphore_mem>>) src(%dma_wait3A_16 : memref<8xi32, #tpu.memory_space<hbm>>) dst(%arg5 : memref<8xi32, #tpu.memory_space<vmem>>)
      tpu.yield
    }) : () -> ()
    %dma_start3A = arith.constant 0 : i32
    %dma_start3A_1 = arith.constant 0 : i32
    %dma_start3A_2 = tpu.memref_slice %arg3[%dma_start3A, %dma_start3A_1] : memref<100x6144xf32, #tpu.memory_space<hbm>> -> memref<100x6144xf32, #tpu.memory_space<hbm>>
    tpu.enqueue_indirect_dma source(%dma_start3A_2 : memref<100x6144xf32, #tpu.memory_space<hbm>>) target(%arg6 : memref<8x6144xf32, #tpu.memory_space<vmem>>) offsets(%arg5 : memref<8xi32, #tpu.memory_space<vmem>>) semaphore(%arg7 : memref<!tpu.dma_semaphore, #tpu.memory_space<semaphore_mem>>)
    %dma_wait3A = arith.constant 0 : i32
    %dma_wait3A_3 = arith.constant 0 : i32
    %dma_wait3A_4 = tpu.memref_slice %arg3[%dma_wait3A, %dma_wait3A_3] : memref<100x6144xf32, #tpu.memory_space<hbm>> -> memref<100x6144xf32, #tpu.memory_space<hbm>>
    tpu.wait_indirect_dma semaphore(%arg7 : memref<!tpu.dma_semaphore, #tpu.memory_space<semaphore_mem>>) src(%dma_wait3A_4 : memref<100x6144xf32, #tpu.memory_space<hbm>>) dst(%arg6 : memref<8x6144xf32, #tpu.memory_space<vmem>>)
    "tpu.region"() ({
      %run_scoped3A = tpu.sem_alloc : memref<!tpu.dma_semaphore, #tpu.memory_space<semaphore_mem>>
      %dma_start3A_5 = arith.constant 0 : i32
      %dma_start3A_6 = arith.constant 0 : i32
      %dma_start3A_7 = tpu.memref_slice %arg4[%add3A, %dma_start3A_5, %dma_start3A_6] : memref<32x8x6144xf32, #tpu.memory_space<hbm>> -> memref<1x8x6144xf32, #tpu.memory_space<hbm>>
      %dma_start3A_8 = tpu.memref_squeeze %dma_start3A_7 : memref<1x8x6144xf32, #tpu.memory_space<hbm>> -> memref<8x6144xf32, #tpu.memory_space<hbm>>
      %dma_start3A_9 = arith.constant 0 : i32
      %dma_start3A_10 = arith.constant 0 : i32
      %dma_start3A_11 = tpu.memref_slice %arg4[%add3A, %dma_start3A_9, %dma_start3A_10] : memref<32x8x6144xf32, #tpu.memory_space<hbm>> -> memref<1x8x6144xf32, #tpu.memory_space<hbm>>
      %dma_start3A_12 = tpu.memref_squeeze %dma_start3A_11 : memref<1x8x6144xf32, #tpu.memory_space<hbm>> -> memref<8x6144xf32, #tpu.memory_space<hbm>>
      tpu.enqueue_dma source(%arg6 : memref<8x6144xf32, #tpu.memory_space<vmem>>) target(%dma_start3A_12 : memref<8x6144xf32, #tpu.memory_space<hbm>>) target_semaphore(%run_scoped3A : memref<!tpu.dma_semaphore, #tpu.memory_space<semaphore_mem>>)
      %dma_wait3A_13 = arith.constant 0 : i32
      %dma_wait3A_14 = arith.constant 0 : i32
      %dma_wait3A_15 = tpu.memref_slice %arg4[%add3A, %dma_wait3A_13, %dma_wait3A_14] : memref<32x8x6144xf32, #tpu.memory_space<hbm>> -> memref<1x8x6144xf32, #tpu.memory_space<hbm>>
      %dma_wait3A_16 = tpu.memref_squeeze %dma_wait3A_15 : memref<1x8x6144xf32, #tpu.memory_space<hbm>> -> memref<8x6144xf32, #tpu.memory_space<hbm>>
      %dma_wait3A_17 = arith.constant 0 : i32
      %dma_wait3A_18 = arith.constant 0 : i32
      %dma_wait3A_19 = tpu.memref_slice %arg4[%add3A, %dma_wait3A_17, %dma_wait3A_18] : memref<32x8x6144xf32, #tpu.memory_space<hbm>> -> memref<1x8x6144xf32, #tpu.memory_space<hbm>>
      %dma_wait3A_20 = tpu.memref_squeeze %dma_wait3A_19 : memref<1x8x6144xf32, #tpu.memory_space<hbm>> -> memref<8x6144xf32, #tpu.memory_space<hbm>>
      tpu.wait_dma2 semaphore(%run_scoped3A : memref<!tpu.dma_semaphore, #tpu.memory_space<semaphore_mem>>) src(%arg6 : memref<8x6144xf32, #tpu.memory_space<vmem>>) dst(%dma_wait3A_20 : memref<8x6144xf32, #tpu.memory_space<hbm>>)
      tpu.yield
    }) : () -> ()
    return
  }
}

module attributes {stable_mosaic.version = 14 : i64} {
  func.func @_asm_xb_body(%arg0: i32, %arg1: memref<50x77x768xf32, #tpu.memory_space<vmem>>, %arg2: memref<1x1600x768xf32, #tpu.memory_space<vmem>>) attributes {dimension_semantics = [#tpu.dimension_semantics<arbitrary>], iteration_bounds = array<i64: 37>, scalar_prefetch = 0 : i64, scratch_operands = 0 : i64, tpu.core_type = #tpu.core_type<tc>, window_params = [{pipeline_mode = #tpu.pipeline_mode<synchronous>, transform_indices = @transform_0, window_bounds = array<i64: 50, 77, 768>}, {transform_indices = @transform_1, window_bounds = array<i64: 1, 1600, 768>}]} {
    %eq3A = arith.constant 0 : i32
    %eq3A_0 = arith.cmpi eq, %arg0, %eq3A : i32
    %add3A = arith.constant 40 : i32
    %add3A_1 = arith.addi %arg0, %add3A : i32
    %jit3A = arith.constant 0 : i32
    %select_n3A = arith.select %eq3A_0, %jit3A, %add3A_1 : i32
    %get3A = arith.constant 0 : index
    %get3A_2 = arith.index_cast %select_n3A : i32 to index
    %get3A_3 = arith.constant 0 : index
    %get3A_4 = vector.load %arg1[%get3A, %get3A_2, %get3A_3] : memref<50x77x768xf32, #tpu.memory_space<vmem>>, vector<50x1x768xf32>
    %get3A_5 = vector.shape_cast %get3A_4 : vector<50x1x768xf32> to vector<50x768xf32>
    %swap3A = arith.constant 0 : index
    %swap3A_6 = arith.constant 0 : index
    %swap3A_7 = arith.constant 0 : index
    %swap3A_8 = vector.load %arg2[%swap3A, %swap3A_6, %swap3A_7] : memref<1x1600x768xf32, #tpu.memory_space<vmem>>, vector<1x50x768xf32>
    %swap3A_9 = vector.shape_cast %swap3A_8 : vector<1x50x768xf32> to vector<50x768xf32>
    %swap3A_10 = vector.shape_cast %get3A_5 : vector<50x768xf32> to vector<1x50x768xf32>
    tpu.vector_store %arg2[%swap3A, %swap3A_6, %swap3A_7], %swap3A_10 {strides = array<i32>} : memref<1x1600x768xf32, #tpu.memory_space<vmem>>, vector<1x50x768xf32>,
    %swap3A_11 = arith.constant 0 : index
    %swap3A_12 = arith.constant 50 : index
    %swap3A_13 = arith.constant 0 : index
    %swap3A_14 = vector.load %arg2[%swap3A_11, %swap3A_12, %swap3A_13] : memref<1x1600x768xf32, #tpu.memory_space<vmem>>, vector<1x50x768xf32>
    %swap3A_15 = vector.shape_cast %swap3A_14 : vector<1x50x768xf32> to vector<50x768xf32>
    %swap3A_16 = vector.shape_cast %get3A_5 : vector<50x768xf32> to vector<1x50x768xf32>
    tpu.vector_store %arg2[%swap3A_11, %swap3A_12, %swap3A_13], %swap3A_16 {strides = array<i32>} : memref<1x1600x768xf32, #tpu.memory_space<vmem>>, vector<1x50x768xf32>,
    %swap3A_17 = arith.constant 0 : index
    %swap3A_18 = arith.constant 100 : index
    %swap3A_19 = arith.constant 0 : index
    %swap3A_20 = vector.load %arg2[%swap3A_17, %swap3A_18, %swap3A_19] : memref<1x1600x768xf32, #tpu.memory_space<vmem>>, vector<1x50x768xf32>
    %swap3A_21 = vector.shape_cast %swap3A_20 : vector<1x50x768xf32> to vector<50x768xf32>
    %swap3A_22 = vector.shape_cast %get3A_5 : vector<50x768xf32> to vector<1x50x768xf32>
    tpu.vector_store %arg2[%swap3A_17, %swap3A_18, %swap3A_19], %swap3A_22 {strides = array<i32>} : memref<1x1600x768xf32, #tpu.memory_space<vmem>>, vector<1x50x768xf32>,
    %swap3A_23 = arith.constant 0 : index
    %swap3A_24 = arith.constant 150 : index
    %swap3A_25 = arith.constant 0 : index
    %swap3A_26 = vector.load %arg2[%swap3A_23, %swap3A_24, %swap3A_25] : memref<1x1600x768xf32, #tpu.memory_space<vmem>>, vector<1x50x768xf32>
    %swap3A_27 = vector.shape_cast %swap3A_26 : vector<1x50x768xf32> to vector<50x768xf32>
    %swap3A_28 = vector.shape_cast %get3A_5 : vector<50x768xf32> to vector<1x50x768xf32>
    tpu.vector_store %arg2[%swap3A_23, %swap3A_24, %swap3A_25], %swap3A_28 {strides = array<i32>} : memref<1x1600x768xf32, #tpu.memory_space<vmem>>, vector<1x50x768xf32>,
    %swap3A_29 = arith.constant 0 : index
    %swap3A_30 = arith.constant 200 : index
    %swap3A_31 = arith.constant 0 : index
    %swap3A_32 = vector.load %arg2[%swap3A_29, %swap3A_30, %swap3A_31] : memref<1x1600x768xf32, #tpu.memory_space<vmem>>, vector<1x50x768xf32>
    %swap3A_33 = vector.shape_cast %swap3A_32 : vector<1x50x768xf32> to vector<50x768xf32>
    %swap3A_34 = vector.shape_cast %get3A_5 : vector<50x768xf32> to vector<1x50x768xf32>
    tpu.vector_store %arg2[%swap3A_29, %swap3A_30, %swap3A_31], %swap3A_34 {strides = array<i32>} : memref<1x1600x768xf32, #tpu.memory_space<vmem>>, vector<1x50x768xf32>,
    %swap3A_35 = arith.constant 0 : index
    %swap3A_36 = arith.constant 250 : index
    %swap3A_37 = arith.constant 0 : index
    %swap3A_38 = vector.load %arg2[%swap3A_35, %swap3A_36, %swap3A_37] : memref<1x1600x768xf32, #tpu.memory_space<vmem>>, vector<1x50x768xf32>
    %swap3A_39 = vector.shape_cast %swap3A_38 : vector<1x50x768xf32> to vector<50x768xf32>
    %swap3A_40 = vector.shape_cast %get3A_5 : vector<50x768xf32> to vector<1x50x768xf32>
    tpu.vector_store %arg2[%swap3A_35, %swap3A_36, %swap3A_37], %swap3A_40 {strides = array<i32>} : memref<1x1600x768xf32, #tpu.memory_space<vmem>>, vector<1x50x768xf32>,
    %swap3A_41 = arith.constant 0 : index
    %swap3A_42 = arith.constant 300 : index
    %swap3A_43 = arith.constant 0 : index
    %swap3A_44 = vector.load %arg2[%swap3A_41, %swap3A_42, %swap3A_43] : memref<1x1600x768xf32, #tpu.memory_space<vmem>>, vector<1x50x768xf32>
    %swap3A_45 = vector.shape_cast %swap3A_44 : vector<1x50x768xf32> to vector<50x768xf32>
    %swap3A_46 = vector.shape_cast %get3A_5 : vector<50x768xf32> to vector<1x50x768xf32>
    tpu.vector_store %arg2[%swap3A_41, %swap3A_42, %swap3A_43], %swap3A_46 {strides = array<i32>} : memref<1x1600x768xf32, #tpu.memory_space<vmem>>, vector<1x50x768xf32>,
    %swap3A_47 = arith.constant 0 : index
    %swap3A_48 = arith.constant 350 : index
    %swap3A_49 = arith.constant 0 : index
    %swap3A_50 = vector.load %arg2[%swap3A_47, %swap3A_48, %swap3A_49] : memref<1x1600x768xf32, #tpu.memory_space<vmem>>, vector<1x50x768xf32>
    %swap3A_51 = vector.shape_cast %swap3A_50 : vector<1x50x768xf32> to vector<50x768xf32>
    %swap3A_52 = vector.shape_cast %get3A_5 : vector<50x768xf32> to vector<1x50x768xf32>
    tpu.vector_store %arg2[%swap3A_47, %swap3A_48, %swap3A_49], %swap3A_52 {strides = array<i32>} : memref<1x1600x768xf32, #tpu.memory_space<vmem>>, vector<1x50x768xf32>,
    %swap3A_53 = arith.constant 0 : index
    %swap3A_54 = arith.constant 400 : index
    %swap3A_55 = arith.constant 0 : index
    %swap3A_56 = vector.load %arg2[%swap3A_53, %swap3A_54, %swap3A_55] : memref<1x1600x768xf32, #tpu.memory_space<vmem>>, vector<1x50x768xf32>
    %swap3A_57 = vector.shape_cast %swap3A_56 : vector<1x50x768xf32> to vector<50x768xf32>
    %swap3A_58 = vector.shape_cast %get3A_5 : vector<50x768xf32> to vector<1x50x768xf32>
    tpu.vector_store %arg2[%swap3A_53, %swap3A_54, %swap3A_55], %swap3A_58 {strides = array<i32>} : memref<1x1600x768xf32, #tpu.memory_space<vmem>>, vector<1x50x768xf32>,
    %swap3A_59 = arith.constant 0 : index
    %swap3A_60 = arith.constant 450 : index
    %swap3A_61 = arith.constant 0 : index
    %swap3A_62 = vector.load %arg2[%swap3A_59, %swap3A_60, %swap3A_61] : memref<1x1600x768xf32, #tpu.memory_space<vmem>>, vector<1x50x768xf32>
    %swap3A_63 = vector.shape_cast %swap3A_62 : vector<1x50x768xf32> to vector<50x768xf32>
    %swap3A_64 = vector.shape_cast %get3A_5 : vector<50x768xf32> to vector<1x50x768xf32>
    tpu.vector_store %arg2[%swap3A_59, %swap3A_60, %swap3A_61], %swap3A_64 {strides = array<i32>} : memref<1x1600x768xf32, #tpu.memory_space<vmem>>, vector<1x50x768xf32>,
    %swap3A_65 = arith.constant 0 : index
    %swap3A_66 = arith.constant 500 : index
    %swap3A_67 = arith.constant 0 : index
    %swap3A_68 = vector.load %arg2[%swap3A_65, %swap3A_66, %swap3A_67] : memref<1x1600x768xf32, #tpu.memory_space<vmem>>, vector<1x50x768xf32>
    %swap3A_69 = vector.shape_cast %swap3A_68 : vector<1x50x768xf32> to vector<50x768xf32>
    %swap3A_70 = vector.shape_cast %get3A_5 : vector<50x768xf32> to vector<1x50x768xf32>
    tpu.vector_store %arg2[%swap3A_65, %swap3A_66, %swap3A_67], %swap3A_70 {strides = array<i32>} : memref<1x1600x768xf32, #tpu.memory_space<vmem>>, vector<1x50x768xf32>,
    %swap3A_71 = arith.constant 0 : index
    %swap3A_72 = arith.constant 550 : index
    %swap3A_73 = arith.constant 0 : index
    %swap3A_74 = vector.load %arg2[%swap3A_71, %swap3A_72, %swap3A_73] : memref<1x1600x768xf32, #tpu.memory_space<vmem>>, vector<1x50x768xf32>
    %swap3A_75 = vector.shape_cast %swap3A_74 : vector<1x50x768xf32> to vector<50x768xf32>
    %swap3A_76 = vector.shape_cast %get3A_5 : vector<50x768xf32> to vector<1x50x768xf32>
    tpu.vector_store %arg2[%swap3A_71, %swap3A_72, %swap3A_73], %swap3A_76 {strides = array<i32>} : memref<1x1600x768xf32, #tpu.memory_space<vmem>>, vector<1x50x768xf32>,
    %swap3A_77 = arith.constant 0 : index
    %swap3A_78 = arith.constant 600 : index
    %swap3A_79 = arith.constant 0 : index
    %swap3A_80 = vector.load %arg2[%swap3A_77, %swap3A_78, %swap3A_79] : memref<1x1600x768xf32, #tpu.memory_space<vmem>>, vector<1x50x768xf32>
    %swap3A_81 = vector.shape_cast %swap3A_80 : vector<1x50x768xf32> to vector<50x768xf32>
    %swap3A_82 = vector.shape_cast %get3A_5 : vector<50x768xf32> to vector<1x50x768xf32>
    tpu.vector_store %arg2[%swap3A_77, %swap3A_78, %swap3A_79], %swap3A_82 {strides = array<i32>} : memref<1x1600x768xf32, #tpu.memory_space<vmem>>, vector<1x50x768xf32>,
    %swap3A_83 = arith.constant 0 : index
    %swap3A_84 = arith.constant 650 : index
    %swap3A_85 = arith.constant 0 : index
    %swap3A_86 = vector.load %arg2[%swap3A_83, %swap3A_84, %swap3A_85] : memref<1x1600x768xf32, #tpu.memory_space<vmem>>, vector<1x50x768xf32>
    %swap3A_87 = vector.shape_cast %swap3A_86 : vector<1x50x768xf32> to vector<50x768xf32>
    %swap3A_88 = vector.shape_cast %get3A_5 : vector<50x768xf32> to vector<1x50x768xf32>
    tpu.vector_store %arg2[%swap3A_83, %swap3A_84, %swap3A_85], %swap3A_88 {strides = array<i32>} : memref<1x1600x768xf32, #tpu.memory_space<vmem>>, vector<1x50x768xf32>,
    %swap3A_89 = arith.constant 0 : index
    %swap3A_90 = arith.constant 700 : index
    %swap3A_91 = arith.constant 0 : index
    %swap3A_92 = vector.load %arg2[%swap3A_89, %swap3A_90, %swap3A_91] : memref<1x1600x768xf32, #tpu.memory_space<vmem>>, vector<1x50x768xf32>
    %swap3A_93 = vector.shape_cast %swap3A_92 : vector<1x50x768xf32> to vector<50x768xf32>
    %swap3A_94 = vector.shape_cast %get3A_5 : vector<50x768xf32> to vector<1x50x768xf32>
    tpu.vector_store %arg2[%swap3A_89, %swap3A_90, %swap3A_91], %swap3A_94 {strides = array<i32>} : memref<1x1600x768xf32, #tpu.memory_space<vmem>>, vector<1x50x768xf32>,
    %swap3A_95 = arith.constant 0 : index
    %swap3A_96 = arith.constant 750 : index
    %swap3A_97 = arith.constant 0 : index
    %swap3A_98 = vector.load %arg2[%swap3A_95, %swap3A_96, %swap3A_97] : memref<1x1600x768xf32, #tpu.memory_space<vmem>>, vector<1x50x768xf32>
    %swap3A_99 = vector.shape_cast %swap3A_98 : vector<1x50x768xf32> to vector<50x768xf32>
    %swap3A_100 = vector.shape_cast %get3A_5 : vector<50x768xf32> to vector<1x50x768xf32>
    tpu.vector_store %arg2[%swap3A_95, %swap3A_96, %swap3A_97], %swap3A_100 {strides = array<i32>} : memref<1x1600x768xf32, #tpu.memory_space<vmem>>, vector<1x50x768xf32>,
    %swap3A_101 = arith.constant 0 : index
    %swap3A_102 = arith.constant 800 : index
    %swap3A_103 = arith.constant 0 : index
    %swap3A_104 = vector.load %arg2[%swap3A_101, %swap3A_102, %swap3A_103] : memref<1x1600x768xf32, #tpu.memory_space<vmem>>, vector<1x50x768xf32>
    %swap3A_105 = vector.shape_cast %swap3A_104 : vector<1x50x768xf32> to vector<50x768xf32>
    %swap3A_106 = vector.shape_cast %get3A_5 : vector<50x768xf32> to vector<1x50x768xf32>
    tpu.vector_store %arg2[%swap3A_101, %swap3A_102, %swap3A_103], %swap3A_106 {strides = array<i32>} : memref<1x1600x768xf32, #tpu.memory_space<vmem>>, vector<1x50x768xf32>,
    %swap3A_107 = arith.constant 0 : index
    %swap3A_108 = arith.constant 850 : index
    %swap3A_109 = arith.constant 0 : index
    %swap3A_110 = vector.load %arg2[%swap3A_107, %swap3A_108, %swap3A_109] : memref<1x1600x768xf32, #tpu.memory_space<vmem>>, vector<1x50x768xf32>
    %swap3A_111 = vector.shape_cast %swap3A_110 : vector<1x50x768xf32> to vector<50x768xf32>
    %swap3A_112 = vector.shape_cast %get3A_5 : vector<50x768xf32> to vector<1x50x768xf32>
    tpu.vector_store %arg2[%swap3A_107, %swap3A_108, %swap3A_109], %swap3A_112 {strides = array<i32>} : memref<1x1600x768xf32, #tpu.memory_space<vmem>>, vector<1x50x768xf32>,
    %swap3A_113 = arith.constant 0 : index
    %swap3A_114 = arith.constant 900 : index
    %swap3A_115 = arith.constant 0 : index
    %swap3A_116 = vector.load %arg2[%swap3A_113, %swap3A_114, %swap3A_115] : memref<1x1600x768xf32, #tpu.memory_space<vmem>>, vector<1x50x768xf32>
    %swap3A_117 = vector.shape_cast %swap3A_116 : vector<1x50x768xf32> to vector<50x768xf32>
    %swap3A_118 = vector.shape_cast %get3A_5 : vector<50x768xf32> to vector<1x50x768xf32>
    tpu.vector_store %arg2[%swap3A_113, %swap3A_114, %swap3A_115], %swap3A_118 {strides = array<i32>} : memref<1x1600x768xf32, #tpu.memory_space<vmem>>, vector<1x50x768xf32>,
    %swap3A_119 = arith.constant 0 : index
    %swap3A_120 = arith.constant 950 : index
    %swap3A_121 = arith.constant 0 : index
    %swap3A_122 = vector.load %arg2[%swap3A_119, %swap3A_120, %swap3A_121] : memref<1x1600x768xf32, #tpu.memory_space<vmem>>, vector<1x50x768xf32>
    %swap3A_123 = vector.shape_cast %swap3A_122 : vector<1x50x768xf32> to vector<50x768xf32>
    %swap3A_124 = vector.shape_cast %get3A_5 : vector<50x768xf32> to vector<1x50x768xf32>
    tpu.vector_store %arg2[%swap3A_119, %swap3A_120, %swap3A_121], %swap3A_124 {strides = array<i32>} : memref<1x1600x768xf32, #tpu.memory_space<vmem>>, vector<1x50x768xf32>,
    %swap3A_125 = arith.constant 0 : index
    %swap3A_126 = arith.constant 1000 : index
    %swap3A_127 = arith.constant 0 : index
    %swap3A_128 = vector.load %arg2[%swap3A_125, %swap3A_126, %swap3A_127] : memref<1x1600x768xf32, #tpu.memory_space<vmem>>, vector<1x50x768xf32>
    %swap3A_129 = vector.shape_cast %swap3A_128 : vector<1x50x768xf32> to vector<50x768xf32>
    %swap3A_130 = vector.shape_cast %get3A_5 : vector<50x768xf32> to vector<1x50x768xf32>
    tpu.vector_store %arg2[%swap3A_125, %swap3A_126, %swap3A_127], %swap3A_130 {strides = array<i32>} : memref<1x1600x768xf32, #tpu.memory_space<vmem>>, vector<1x50x768xf32>,
    %swap3A_131 = arith.constant 0 : index
    %swap3A_132 = arith.constant 1050 : index
    %swap3A_133 = arith.constant 0 : index
    %swap3A_134 = vector.load %arg2[%swap3A_131, %swap3A_132, %swap3A_133] : memref<1x1600x768xf32, #tpu.memory_space<vmem>>, vector<1x50x768xf32>
    %swap3A_135 = vector.shape_cast %swap3A_134 : vector<1x50x768xf32> to vector<50x768xf32>
    %swap3A_136 = vector.shape_cast %get3A_5 : vector<50x768xf32> to vector<1x50x768xf32>
    tpu.vector_store %arg2[%swap3A_131, %swap3A_132, %swap3A_133], %swap3A_136 {strides = array<i32>} : memref<1x1600x768xf32, #tpu.memory_space<vmem>>, vector<1x50x768xf32>,
    %swap3A_137 = arith.constant 0 : index
    %swap3A_138 = arith.constant 1100 : index
    %swap3A_139 = arith.constant 0 : index
    %swap3A_140 = vector.load %arg2[%swap3A_137, %swap3A_138, %swap3A_139] : memref<1x1600x768xf32, #tpu.memory_space<vmem>>, vector<1x50x768xf32>
    %swap3A_141 = vector.shape_cast %swap3A_140 : vector<1x50x768xf32> to vector<50x768xf32>
    %swap3A_142 = vector.shape_cast %get3A_5 : vector<50x768xf32> to vector<1x50x768xf32>
    tpu.vector_store %arg2[%swap3A_137, %swap3A_138, %swap3A_139], %swap3A_142 {strides = array<i32>} : memref<1x1600x768xf32, #tpu.memory_space<vmem>>, vector<1x50x768xf32>,
    %swap3A_143 = arith.constant 0 : index
    %swap3A_144 = arith.constant 1150 : index
    %swap3A_145 = arith.constant 0 : index
    %swap3A_146 = vector.load %arg2[%swap3A_143, %swap3A_144, %swap3A_145] : memref<1x1600x768xf32, #tpu.memory_space<vmem>>, vector<1x50x768xf32>
    %swap3A_147 = vector.shape_cast %swap3A_146 : vector<1x50x768xf32> to vector<50x768xf32>
    %swap3A_148 = vector.shape_cast %get3A_5 : vector<50x768xf32> to vector<1x50x768xf32>
    tpu.vector_store %arg2[%swap3A_143, %swap3A_144, %swap3A_145], %swap3A_148 {strides = array<i32>} : memref<1x1600x768xf32, #tpu.memory_space<vmem>>, vector<1x50x768xf32>,
    %swap3A_149 = arith.constant 0 : index
    %swap3A_150 = arith.constant 1200 : index
    %swap3A_151 = arith.constant 0 : index
    %swap3A_152 = vector.load %arg2[%swap3A_149, %swap3A_150, %swap3A_151] : memref<1x1600x768xf32, #tpu.memory_space<vmem>>, vector<1x50x768xf32>
    %swap3A_153 = vector.shape_cast %swap3A_152 : vector<1x50x768xf32> to vector<50x768xf32>
    %swap3A_154 = vector.shape_cast %get3A_5 : vector<50x768xf32> to vector<1x50x768xf32>
    tpu.vector_store %arg2[%swap3A_149, %swap3A_150, %swap3A_151], %swap3A_154 {strides = array<i32>} : memref<1x1600x768xf32, #tpu.memory_space<vmem>>, vector<1x50x768xf32>,
    %swap3A_155 = arith.constant 0 : index
    %swap3A_156 = arith.constant 1250 : index
    %swap3A_157 = arith.constant 0 : index
    %swap3A_158 = vector.load %arg2[%swap3A_155, %swap3A_156, %swap3A_157] : memref<1x1600x768xf32, #tpu.memory_space<vmem>>, vector<1x50x768xf32>
    %swap3A_159 = vector.shape_cast %swap3A_158 : vector<1x50x768xf32> to vector<50x768xf32>
    %swap3A_160 = vector.shape_cast %get3A_5 : vector<50x768xf32> to vector<1x50x768xf32>
    tpu.vector_store %arg2[%swap3A_155, %swap3A_156, %swap3A_157], %swap3A_160 {strides = array<i32>} : memref<1x1600x768xf32, #tpu.memory_space<vmem>>, vector<1x50x768xf32>,
    %swap3A_161 = arith.constant 0 : index
    %swap3A_162 = arith.constant 1300 : index
    %swap3A_163 = arith.constant 0 : index
    %swap3A_164 = vector.load %arg2[%swap3A_161, %swap3A_162, %swap3A_163] : memref<1x1600x768xf32, #tpu.memory_space<vmem>>, vector<1x50x768xf32>
    %swap3A_165 = vector.shape_cast %swap3A_164 : vector<1x50x768xf32> to vector<50x768xf32>
    %swap3A_166 = vector.shape_cast %get3A_5 : vector<50x768xf32> to vector<1x50x768xf32>
    tpu.vector_store %arg2[%swap3A_161, %swap3A_162, %swap3A_163], %swap3A_166 {strides = array<i32>} : memref<1x1600x768xf32, #tpu.memory_space<vmem>>, vector<1x50x768xf32>,
    %swap3A_167 = arith.constant 0 : index
    %swap3A_168 = arith.constant 1350 : index
    %swap3A_169 = arith.constant 0 : index
    %swap3A_170 = vector.load %arg2[%swap3A_167, %swap3A_168, %swap3A_169] : memref<1x1600x768xf32, #tpu.memory_space<vmem>>, vector<1x50x768xf32>
    %swap3A_171 = vector.shape_cast %swap3A_170 : vector<1x50x768xf32> to vector<50x768xf32>
    %swap3A_172 = vector.shape_cast %get3A_5 : vector<50x768xf32> to vector<1x50x768xf32>
    tpu.vector_store %arg2[%swap3A_167, %swap3A_168, %swap3A_169], %swap3A_172 {strides = array<i32>} : memref<1x1600x768xf32, #tpu.memory_space<vmem>>, vector<1x50x768xf32>,
    %swap3A_173 = arith.constant 0 : index
    %swap3A_174 = arith.constant 1400 : index
    %swap3A_175 = arith.constant 0 : index
    %swap3A_176 = vector.load %arg2[%swap3A_173, %swap3A_174, %swap3A_175] : memref<1x1600x768xf32, #tpu.memory_space<vmem>>, vector<1x50x768xf32>
    %swap3A_177 = vector.shape_cast %swap3A_176 : vector<1x50x768xf32> to vector<50x768xf32>
    %swap3A_178 = vector.shape_cast %get3A_5 : vector<50x768xf32> to vector<1x50x768xf32>
    tpu.vector_store %arg2[%swap3A_173, %swap3A_174, %swap3A_175], %swap3A_178 {strides = array<i32>} : memref<1x1600x768xf32, #tpu.memory_space<vmem>>, vector<1x50x768xf32>,
    %swap3A_179 = arith.constant 0 : index
    %swap3A_180 = arith.constant 1450 : index
    %swap3A_181 = arith.constant 0 : index
    %swap3A_182 = vector.load %arg2[%swap3A_179, %swap3A_180, %swap3A_181] : memref<1x1600x768xf32, #tpu.memory_space<vmem>>, vector<1x50x768xf32>
    %swap3A_183 = vector.shape_cast %swap3A_182 : vector<1x50x768xf32> to vector<50x768xf32>
    %swap3A_184 = vector.shape_cast %get3A_5 : vector<50x768xf32> to vector<1x50x768xf32>
    tpu.vector_store %arg2[%swap3A_179, %swap3A_180, %swap3A_181], %swap3A_184 {strides = array<i32>} : memref<1x1600x768xf32, #tpu.memory_space<vmem>>, vector<1x50x768xf32>,
    %swap3A_185 = arith.constant 0 : index
    %swap3A_186 = arith.constant 1500 : index
    %swap3A_187 = arith.constant 0 : index
    %swap3A_188 = vector.load %arg2[%swap3A_185, %swap3A_186, %swap3A_187] : memref<1x1600x768xf32, #tpu.memory_space<vmem>>, vector<1x50x768xf32>
    %swap3A_189 = vector.shape_cast %swap3A_188 : vector<1x50x768xf32> to vector<50x768xf32>
    %swap3A_190 = vector.shape_cast %get3A_5 : vector<50x768xf32> to vector<1x50x768xf32>
    tpu.vector_store %arg2[%swap3A_185, %swap3A_186, %swap3A_187], %swap3A_190 {strides = array<i32>} : memref<1x1600x768xf32, #tpu.memory_space<vmem>>, vector<1x50x768xf32>,
    %swap3A_191 = arith.constant 0 : index
    %swap3A_192 = arith.constant 1550 : index
    %swap3A_193 = arith.constant 0 : index
    %swap3A_194 = vector.load %arg2[%swap3A_191, %swap3A_192, %swap3A_193] : memref<1x1600x768xf32, #tpu.memory_space<vmem>>, vector<1x50x768xf32>
    %swap3A_195 = vector.shape_cast %swap3A_194 : vector<1x50x768xf32> to vector<50x768xf32>
    %swap3A_196 = vector.shape_cast %get3A_5 : vector<50x768xf32> to vector<1x50x768xf32>
    tpu.vector_store %arg2[%swap3A_191, %swap3A_192, %swap3A_193], %swap3A_196 {strides = array<i32>} : memref<1x1600x768xf32, #tpu.memory_space<vmem>>, vector<1x50x768xf32>,
    return
  }
  func.func @transform_0(%arg0: i32) -> (i32, i32, i32) {
    %c0_i32 = arith.constant 0 : i32
    %c0_i32_0 = arith.constant 0 : i32
    %c0_i32_1 = arith.constant 0 : i32
    %c0_i32_2 = arith.constant 0 : i32
    return %c0_i32, %c0_i32_0, %c0_i32_1 : i32, i32, i32
  }
  func.func @transform_1(%arg0: i32) -> (i32, i32, i32) {
    %eq3A = arith.constant 0 : i32
    %eq3A_0 = arith.cmpi eq, %arg0, %eq3A : i32
    %add3A = arith.constant 40 : i32
    %add3A_1 = arith.addi %arg0, %add3A : i32
    %jit3A = arith.constant 0 : i32
    %select_n3A = arith.select %eq3A_0, %jit3A, %add3A_1 : i32
    %c0_i32 = arith.constant 0 : i32
    %c0_i32_2 = arith.constant 0 : i32
    %c0_i32_3 = arith.constant 0 : i32
    return %select_n3A, %c0_i32, %c0_i32_2 : i32, i32, i32
  }
}

module attributes {stable_mosaic.version = 14 : i64} {
  func.func @_topk_body(%arg0: memref<32x768xf32, #tpu.memory_space<vmem>>, %arg1: memref<100x768xf32, #tpu.memory_space<vmem>>, %arg2: memref<32x128xi32, #tpu.memory_space<vmem>>) attributes {dimension_semantics = [], scalar_prefetch = 0 : i64, scratch_operands = 0 : i64, tpu.core_type = #tpu.core_type<tc>} {
    %get3A = arith.constant 0 : index
    %get3A_0 = arith.constant 0 : index
    %get3A_1 = vector.load %arg0[%get3A, %get3A_0] : memref<32x768xf32, #tpu.memory_space<vmem>>, vector<32x768xf32>
    %get3A_2 = arith.constant 0 : index
    %get3A_3 = arith.constant 0 : index
    %get3A_4 = vector.load %arg1[%get3A_2, %get3A_3] : memref<100x768xf32, #tpu.memory_space<vmem>>, vector<100x768xf32>
    %dot_general3A = arith.constant dense<0.000000e+00> : vector<32x100xf32>
    %dot_general3A_5 = tpu.matmul %get3A_1, %get3A_4, %dot_general3A {dimension_numbers = #tpu.dot_dimension_numbers<[1], [1], [0], [0], [0, 0, 1, 0], [], []>, transpose_lhs_hint = false} : vector<32x768xf32>, vector<100x768xf32>, vector<32x100xf32> -> vector<32x100xf32>
    %iota3A = tpu.iota {dimensions = array<i32: 1>} : vector<32x100xi32>
    %reduce_max3A = arith.constant dense<0xFF800000> : vector<32xf32>
    %reduce_max3A_6 = vector.multi_reduction <maximumf>, %dot_general3A_5, %reduce_max3A [1] : vector<32x100xf32> to vector<32xf32>
    %broadcast_in_dim3A = vector.shape_cast %reduce_max3A_6 : vector<32xf32> to vector<32x1xf32>
    %eq3A = vector.broadcast %broadcast_in_dim3A : vector<32x1xf32> to vector<32x100xf32>
    %eq3A_7 = arith.cmpf oeq, %dot_general3A_5, %eq3A : vector<32x100xf32>
    %jit3A = arith.constant 100 : i32
    %broadcast_in_dim3A_8 = vector.broadcast %jit3A : i32 to vector<32x100xi32>
    %select_n3A = arith.select %eq3A_7, %iota3A, %broadcast_in_dim3A_8 : vector<32x100xi1>, vector<32x100xi32>
    %reduce_min3A = arith.constant dense<2147483647> : vector<32xi32>
    %reduce_min3A_9 = vector.multi_reduction <minsi>, %select_n3A, %reduce_min3A [1] : vector<32x100xi32> to vector<32xi32>
    %broadcast_in_dim3A_10 = vector.shape_cast %reduce_min3A_9 : vector<32xi32> to vector<32x1xi32>
    %broadcast_in_dim3A_11 = vector.shape_cast %reduce_min3A_9 : vector<32xi32> to vector<32x1xi32>
    %eq3A_12 = vector.broadcast %broadcast_in_dim3A_11 : vector<32x1xi32> to vector<32x100xi32>
    %eq3A_13 = arith.cmpi eq, %iota3A, %eq3A_12 : vector<32x100xi32>
    %jit3A_14 = arith.constant 0xFF800000 : f32
    %broadcast_in_dim3A_15 = vector.broadcast %jit3A_14 : f32 to vector<32x100xf32>
    %select_n3A_16 = arith.select %eq3A_13, %broadcast_in_dim3A_15, %dot_general3A_5 : vector<32x100xi1>, vector<32x100xf32>
    %reduce_max3A_17 = arith.constant dense<0xFF800000> : vector<32xf32>
    %reduce_max3A_18 = vector.multi_reduction <maximumf>, %select_n3A_16, %reduce_max3A_17 [1] : vector<32x100xf32> to vector<32xf32>
    %broadcast_in_dim3A_19 = vector.shape_cast %reduce_max3A_18 : vector<32xf32> to vector<32x1xf32>
    %eq3A_20 = vector.broadcast %broadcast_in_dim3A_19 : vector<32x1xf32> to vector<32x100xf32>
    %eq3A_21 = arith.cmpf oeq, %select_n3A_16, %eq3A_20 : vector<32x100xf32>
    %jit3A_22 = arith.constant 100 : i32
    %broadcast_in_dim3A_23 = vector.broadcast %jit3A_22 : i32 to vector<32x100xi32>
    %select_n3A_24 = arith.select %eq3A_21, %iota3A, %broadcast_in_dim3A_23 : vector<32x100xi1>, vector<32x100xi32>
    %reduce_min3A_25 = arith.constant dense<2147483647> : vector<32xi32>
    %reduce_min3A_26 = vector.multi_reduction <minsi>, %select_n3A_24, %reduce_min3A_25 [1] : vector<32x100xi32> to vector<32xi32>
    %broadcast_in_dim3A_27 = vector.shape_cast %reduce_min3A_26 : vector<32xi32> to vector<32x1xi32>
    %broadcast_in_dim3A_28 = vector.shape_cast %reduce_min3A_26 : vector<32xi32> to vector<32x1xi32>
    %eq3A_29 = vector.broadcast %broadcast_in_dim3A_28 : vector<32x1xi32> to vector<32x100xi32>
    %eq3A_30 = arith.cmpi eq, %iota3A, %eq3A_29 : vector<32x100xi32>
    %jit3A_31 = arith.constant 0xFF800000 : f32
    %broadcast_in_dim3A_32 = vector.broadcast %jit3A_31 : f32 to vector<32x100xf32>
    %select_n3A_33 = arith.select %eq3A_30, %broadcast_in_dim3A_32, %select_n3A_16 : vector<32x100xi1>, vector<32x100xf32>
    %reduce_max3A_34 = arith.constant dense<0xFF800000> : vector<32xf32>
    %reduce_max3A_35 = vector.multi_reduction <maximumf>, %select_n3A_33, %reduce_max3A_34 [1] : vector<32x100xf32> to vector<32xf32>
    %broadcast_in_dim3A_36 = vector.shape_cast %reduce_max3A_35 : vector<32xf32> to vector<32x1xf32>
    %eq3A_37 = vector.broadcast %broadcast_in_dim3A_36 : vector<32x1xf32> to vector<32x100xf32>
    %eq3A_38 = arith.cmpf oeq, %select_n3A_33, %eq3A_37 : vector<32x100xf32>
    %jit3A_39 = arith.constant 100 : i32
    %broadcast_in_dim3A_40 = vector.broadcast %jit3A_39 : i32 to vector<32x100xi32>
    %select_n3A_41 = arith.select %eq3A_38, %iota3A, %broadcast_in_dim3A_40 : vector<32x100xi1>, vector<32x100xi32>
    %reduce_min3A_42 = arith.constant dense<2147483647> : vector<32xi32>
    %reduce_min3A_43 = vector.multi_reduction <minsi>, %select_n3A_41, %reduce_min3A_42 [1] : vector<32x100xi32> to vector<32xi32>
    %broadcast_in_dim3A_44 = vector.shape_cast %reduce_min3A_43 : vector<32xi32> to vector<32x1xi32>
    %broadcast_in_dim3A_45 = vector.shape_cast %reduce_min3A_43 : vector<32xi32> to vector<32x1xi32>
    %eq3A_46 = vector.broadcast %broadcast_in_dim3A_45 : vector<32x1xi32> to vector<32x100xi32>
    %eq3A_47 = arith.cmpi eq, %iota3A, %eq3A_46 : vector<32x100xi32>
    %jit3A_48 = arith.constant 0xFF800000 : f32
    %broadcast_in_dim3A_49 = vector.broadcast %jit3A_48 : f32 to vector<32x100xf32>
    %select_n3A_50 = arith.select %eq3A_47, %broadcast_in_dim3A_49, %select_n3A_33 : vector<32x100xi1>, vector<32x100xf32>
    %reduce_max3A_51 = arith.constant dense<0xFF800000> : vector<32xf32>
    %reduce_max3A_52 = vector.multi_reduction <maximumf>, %select_n3A_50, %reduce_max3A_51 [1] : vector<32x100xf32> to vector<32xf32>
    %broadcast_in_dim3A_53 = vector.shape_cast %reduce_max3A_52 : vector<32xf32> to vector<32x1xf32>
    %eq3A_54 = vector.broadcast %broadcast_in_dim3A_53 : vector<32x1xf32> to vector<32x100xf32>
    %eq3A_55 = arith.cmpf oeq, %select_n3A_50, %eq3A_54 : vector<32x100xf32>
    %jit3A_56 = arith.constant 100 : i32
    %broadcast_in_dim3A_57 = vector.broadcast %jit3A_56 : i32 to vector<32x100xi32>
    %select_n3A_58 = arith.select %eq3A_55, %iota3A, %broadcast_in_dim3A_57 : vector<32x100xi1>, vector<32x100xi32>
    %reduce_min3A_59 = arith.constant dense<2147483647> : vector<32xi32>
    %reduce_min3A_60 = vector.multi_reduction <minsi>, %select_n3A_58, %reduce_min3A_59 [1] : vector<32x100xi32> to vector<32xi32>
    %broadcast_in_dim3A_61 = vector.shape_cast %reduce_min3A_60 : vector<32xi32> to vector<32x1xi32>
    %broadcast_in_dim3A_62 = vector.shape_cast %reduce_min3A_60 : vector<32xi32> to vector<32x1xi32>
    %eq3A_63 = vector.broadcast %broadcast_in_dim3A_62 : vector<32x1xi32> to vector<32x100xi32>
    %eq3A_64 = arith.cmpi eq, %iota3A, %eq3A_63 : vector<32x100xi32>
    %jit3A_65 = arith.constant 0xFF800000 : f32
    %broadcast_in_dim3A_66 = vector.broadcast %jit3A_65 : f32 to vector<32x100xf32>
    %select_n3A_67 = arith.select %eq3A_64, %broadcast_in_dim3A_66, %select_n3A_50 : vector<32x100xi1>, vector<32x100xf32>
    %reduce_max3A_68 = arith.constant dense<0xFF800000> : vector<32xf32>
    %reduce_max3A_69 = vector.multi_reduction <maximumf>, %select_n3A_67, %reduce_max3A_68 [1] : vector<32x100xf32> to vector<32xf32>
    %broadcast_in_dim3A_70 = vector.shape_cast %reduce_max3A_69 : vector<32xf32> to vector<32x1xf32>
    %eq3A_71 = vector.broadcast %broadcast_in_dim3A_70 : vector<32x1xf32> to vector<32x100xf32>
    %eq3A_72 = arith.cmpf oeq, %select_n3A_67, %eq3A_71 : vector<32x100xf32>
    %jit3A_73 = arith.constant 100 : i32
    %broadcast_in_dim3A_74 = vector.broadcast %jit3A_73 : i32 to vector<32x100xi32>
    %select_n3A_75 = arith.select %eq3A_72, %iota3A, %broadcast_in_dim3A_74 : vector<32x100xi1>, vector<32x100xi32>
    %reduce_min3A_76 = arith.constant dense<2147483647> : vector<32xi32>
    %reduce_min3A_77 = vector.multi_reduction <minsi>, %select_n3A_75, %reduce_min3A_76 [1] : vector<32x100xi32> to vector<32xi32>
    %broadcast_in_dim3A_78 = vector.shape_cast %reduce_min3A_77 : vector<32xi32> to vector<32x1xi32>
    %broadcast_in_dim3A_79 = arith.constant 0 : i32
    %broadcast_in_dim3A_80 = vector.broadcast %broadcast_in_dim3A_79 : i32 to vector<32x123xi32>
    %concatenate3A = tpu.concatenate %broadcast_in_dim3A_10, %broadcast_in_dim3A_27, %broadcast_in_dim3A_44, %broadcast_in_dim3A_61, %broadcast_in_dim3A_78, %broadcast_in_dim3A_80 in 1 : vector<32x1xi32>, vector<32x1xi32>, vector<32x1xi32>, vector<32x1xi32>, vector<32x1xi32>, vector<32x123xi32> -> vector<32x128xi32>
    %swap3A = arith.constant 0 : index
    %swap3A_81 = arith.constant 0 : index
    %swap3A_82 = vector.load %arg2[%swap3A, %swap3A_81] : memref<32x128xi32, #tpu.memory_space<vmem>>, vector<32x128xi32>
    tpu.vector_store %arg2[%swap3A, %swap3A_81], %concatenate3A {strides = array<i32>} : memref<32x128xi32, #tpu.memory_space<vmem>>, vector<32x128xi32>,
    return
  }
}

module attributes {stable_mosaic.version = 14 : i64} {
  func.func @_asm_sel_body(%arg0: i32, %arg1: memref<77x1600x768xf32, #tpu.memory_space<any>>, %arg2: memref<32x64x768xf32, #tpu.memory_space<vmem>>, %arg3: memref<1x1600x768xf32, #tpu.memory_space<vmem>>) attributes {dimension_semantics = [#tpu.dimension_semantics<arbitrary>], iteration_bounds = array<i64: 40>, scalar_prefetch = 0 : i64, scratch_operands = 0 : i64, tpu.core_type = #tpu.core_type<tc>, window_params = [{}, {pipeline_mode = #tpu.pipeline_mode<synchronous>, transform_indices = @transform_1, window_bounds = array<i64: 32, 64, 768>}, {transform_indices = @transform_2, window_bounds = array<i64: 1, 1600, 768>}]} {
    %get3A = arith.constant 0 : index
    %get3A_0 = arith.index_cast %arg0 : i32 to index
    %get3A_1 = arith.constant 0 : index
    %get3A_2 = vector.load %arg2[%get3A, %get3A_0, %get3A_1] : memref<32x64x768xf32, #tpu.memory_space<vmem>>, vector<32x1x768xf32>
    %get3A_3 = vector.shape_cast %get3A_2 : vector<32x1x768xf32> to vector<32x768xf32>
    %slice3A = vector.extract_strided_slice %get3A_3 {offsets = [0, 0], sizes = [1, 768], strides = [1, 1]} : vector<32x768xf32> to vector<1x768xf32>
    %squeeze3A = vector.shape_cast %slice3A : vector<1x768xf32> to vector<768xf32>
    %broadcast_in_dim3A = vector.shape_cast %squeeze3A : vector<768xf32> to vector<1x768xf32>
    %broadcast_in_dim3A_4 = vector.shape_cast %broadcast_in_dim3A : vector<1x768xf32> to vector<1x768xf32>
    %broadcast_in_dim3A_5 = vector.broadcast %broadcast_in_dim3A_4 : vector<1x768xf32> to vector<50x768xf32>
    %swap3A = arith.constant 0 : index
    %swap3A_6 = arith.constant 0 : index
    %swap3A_7 = arith.constant 0 : index
    %swap3A_8 = vector.load %arg3[%swap3A, %swap3A_6, %swap3A_7] : memref<1x1600x768xf32, #tpu.memory_space<vmem>>, vector<1x50x768xf32>
    %swap3A_9 = vector.shape_cast %swap3A_8 : vector<1x50x768xf32> to vector<50x768xf32>
    %swap3A_10 = vector.shape_cast %broadcast_in_dim3A_5 : vector<50x768xf32> to vector<1x50x768xf32>
    tpu.vector_store %arg3[%swap3A, %swap3A_6, %swap3A_7], %swap3A_10 {strides = array<i32>} : memref<1x1600x768xf32, #tpu.memory_space<vmem>>, vector<1x50x768xf32>,
    %slice3A_11 = vector.extract_strided_slice %get3A_3 {offsets = [1, 0], sizes = [1, 768], strides = [1, 1]} : vector<32x768xf32> to vector<1x768xf32>
    %squeeze3A_12 = vector.shape_cast %slice3A_11 : vector<1x768xf32> to vector<768xf32>
    %broadcast_in_dim3A_13 = vector.shape_cast %squeeze3A_12 : vector<768xf32> to vector<1x768xf32>
    %broadcast_in_dim3A_14 = vector.shape_cast %broadcast_in_dim3A_13 : vector<1x768xf32> to vector<1x768xf32>
    %broadcast_in_dim3A_15 = vector.broadcast %broadcast_in_dim3A_14 : vector<1x768xf32> to vector<50x768xf32>
    %swap3A_16 = arith.constant 0 : index
    %swap3A_17 = arith.constant 50 : index
    %swap3A_18 = arith.constant 0 : index
    %swap3A_19 = vector.load %arg3[%swap3A_16, %swap3A_17, %swap3A_18] : memref<1x1600x768xf32, #tpu.memory_space<vmem>>, vector<1x50x768xf32>
    %swap3A_20 = vector.shape_cast %swap3A_19 : vector<1x50x768xf32> to vector<50x768xf32>
    %swap3A_21 = vector.shape_cast %broadcast_in_dim3A_15 : vector<50x768xf32> to vector<1x50x768xf32>
    tpu.vector_store %arg3[%swap3A_16, %swap3A_17, %swap3A_18], %swap3A_21 {strides = array<i32>} : memref<1x1600x768xf32, #tpu.memory_space<vmem>>, vector<1x50x768xf32>,
    %slice3A_22 = vector.extract_strided_slice %get3A_3 {offsets = [2, 0], sizes = [1, 768], strides = [1, 1]} : vector<32x768xf32> to vector<1x768xf32>
    %squeeze3A_23 = vector.shape_cast %slice3A_22 : vector<1x768xf32> to vector<768xf32>
    %broadcast_in_dim3A_24 = vector.shape_cast %squeeze3A_23 : vector<768xf32> to vector<1x768xf32>
    %broadcast_in_dim3A_25 = vector.shape_cast %broadcast_in_dim3A_24 : vector<1x768xf32> to vector<1x768xf32>
    %broadcast_in_dim3A_26 = vector.broadcast %broadcast_in_dim3A_25 : vector<1x768xf32> to vector<50x768xf32>
    %swap3A_27 = arith.constant 0 : index
    %swap3A_28 = arith.constant 100 : index
    %swap3A_29 = arith.constant 0 : index
    %swap3A_30 = vector.load %arg3[%swap3A_27, %swap3A_28, %swap3A_29] : memref<1x1600x768xf32, #tpu.memory_space<vmem>>, vector<1x50x768xf32>
    %swap3A_31 = vector.shape_cast %swap3A_30 : vector<1x50x768xf32> to vector<50x768xf32>
    %swap3A_32 = vector.shape_cast %broadcast_in_dim3A_26 : vector<50x768xf32> to vector<1x50x768xf32>
    tpu.vector_store %arg3[%swap3A_27, %swap3A_28, %swap3A_29], %swap3A_32 {strides = array<i32>} : memref<1x1600x768xf32, #tpu.memory_space<vmem>>, vector<1x50x768xf32>,
    %slice3A_33 = vector.extract_strided_slice %get3A_3 {offsets = [3, 0], sizes = [1, 768], strides = [1, 1]} : vector<32x768xf32> to vector<1x768xf32>
    %squeeze3A_34 = vector.shape_cast %slice3A_33 : vector<1x768xf32> to vector<768xf32>
    %broadcast_in_dim3A_35 = vector.shape_cast %squeeze3A_34 : vector<768xf32> to vector<1x768xf32>
    %broadcast_in_dim3A_36 = vector.shape_cast %broadcast_in_dim3A_35 : vector<1x768xf32> to vector<1x768xf32>
    %broadcast_in_dim3A_37 = vector.broadcast %broadcast_in_dim3A_36 : vector<1x768xf32> to vector<50x768xf32>
    %swap3A_38 = arith.constant 0 : index
    %swap3A_39 = arith.constant 150 : index
    %swap3A_40 = arith.constant 0 : index
    %swap3A_41 = vector.load %arg3[%swap3A_38, %swap3A_39, %swap3A_40] : memref<1x1600x768xf32, #tpu.memory_space<vmem>>, vector<1x50x768xf32>
    %swap3A_42 = vector.shape_cast %swap3A_41 : vector<1x50x768xf32> to vector<50x768xf32>
    %swap3A_43 = vector.shape_cast %broadcast_in_dim3A_37 : vector<50x768xf32> to vector<1x50x768xf32>
    tpu.vector_store %arg3[%swap3A_38, %swap3A_39, %swap3A_40], %swap3A_43 {strides = array<i32>} : memref<1x1600x768xf32, #tpu.memory_space<vmem>>, vector<1x50x768xf32>,
    %slice3A_44 = vector.extract_strided_slice %get3A_3 {offsets = [4, 0], sizes = [1, 768], strides = [1, 1]} : vector<32x768xf32> to vector<1x768xf32>
    %squeeze3A_45 = vector.shape_cast %slice3A_44 : vector<1x768xf32> to vector<768xf32>
    %broadcast_in_dim3A_46 = vector.shape_cast %squeeze3A_45 : vector<768xf32> to vector<1x768xf32>
    %broadcast_in_dim3A_47 = vector.shape_cast %broadcast_in_dim3A_46 : vector<1x768xf32> to vector<1x768xf32>
    %broadcast_in_dim3A_48 = vector.broadcast %broadcast_in_dim3A_47 : vector<1x768xf32> to vector<50x768xf32>
    %swap3A_49 = arith.constant 0 : index
    %swap3A_50 = arith.constant 200 : index
    %swap3A_51 = arith.constant 0 : index
    %swap3A_52 = vector.load %arg3[%swap3A_49, %swap3A_50, %swap3A_51] : memref<1x1600x768xf32, #tpu.memory_space<vmem>>, vector<1x50x768xf32>
    %swap3A_53 = vector.shape_cast %swap3A_52 : vector<1x50x768xf32> to vector<50x768xf32>
    %swap3A_54 = vector.shape_cast %broadcast_in_dim3A_48 : vector<50x768xf32> to vector<1x50x768xf32>
    tpu.vector_store %arg3[%swap3A_49, %swap3A_50, %swap3A_51], %swap3A_54 {strides = array<i32>} : memref<1x1600x768xf32, #tpu.memory_space<vmem>>, vector<1x50x768xf32>,
    %slice3A_55 = vector.extract_strided_slice %get3A_3 {offsets = [5, 0], sizes = [1, 768], strides = [1, 1]} : vector<32x768xf32> to vector<1x768xf32>
    %squeeze3A_56 = vector.shape_cast %slice3A_55 : vector<1x768xf32> to vector<768xf32>
    %broadcast_in_dim3A_57 = vector.shape_cast %squeeze3A_56 : vector<768xf32> to vector<1x768xf32>
    %broadcast_in_dim3A_58 = vector.shape_cast %broadcast_in_dim3A_57 : vector<1x768xf32> to vector<1x768xf32>
    %broadcast_in_dim3A_59 = vector.broadcast %broadcast_in_dim3A_58 : vector<1x768xf32> to vector<50x768xf32>
    %swap3A_60 = arith.constant 0 : index
    %swap3A_61 = arith.constant 250 : index
    %swap3A_62 = arith.constant 0 : index
    %swap3A_63 = vector.load %arg3[%swap3A_60, %swap3A_61, %swap3A_62] : memref<1x1600x768xf32, #tpu.memory_space<vmem>>, vector<1x50x768xf32>
    %swap3A_64 = vector.shape_cast %swap3A_63 : vector<1x50x768xf32> to vector<50x768xf32>
    %swap3A_65 = vector.shape_cast %broadcast_in_dim3A_59 : vector<50x768xf32> to vector<1x50x768xf32>
    tpu.vector_store %arg3[%swap3A_60, %swap3A_61, %swap3A_62], %swap3A_65 {strides = array<i32>} : memref<1x1600x768xf32, #tpu.memory_space<vmem>>, vector<1x50x768xf32>,
    %slice3A_66 = vector.extract_strided_slice %get3A_3 {offsets = [6, 0], sizes = [1, 768], strides = [1, 1]} : vector<32x768xf32> to vector<1x768xf32>
    %squeeze3A_67 = vector.shape_cast %slice3A_66 : vector<1x768xf32> to vector<768xf32>
    %broadcast_in_dim3A_68 = vector.shape_cast %squeeze3A_67 : vector<768xf32> to vector<1x768xf32>
    %broadcast_in_dim3A_69 = vector.shape_cast %broadcast_in_dim3A_68 : vector<1x768xf32> to vector<1x768xf32>
    %broadcast_in_dim3A_70 = vector.broadcast %broadcast_in_dim3A_69 : vector<1x768xf32> to vector<50x768xf32>
    %swap3A_71 = arith.constant 0 : index
    %swap3A_72 = arith.constant 300 : index
    %swap3A_73 = arith.constant 0 : index
    %swap3A_74 = vector.load %arg3[%swap3A_71, %swap3A_72, %swap3A_73] : memref<1x1600x768xf32, #tpu.memory_space<vmem>>, vector<1x50x768xf32>
    %swap3A_75 = vector.shape_cast %swap3A_74 : vector<1x50x768xf32> to vector<50x768xf32>
    %swap3A_76 = vector.shape_cast %broadcast_in_dim3A_70 : vector<50x768xf32> to vector<1x50x768xf32>
    tpu.vector_store %arg3[%swap3A_71, %swap3A_72, %swap3A_73], %swap3A_76 {strides = array<i32>} : memref<1x1600x768xf32, #tpu.memory_space<vmem>>, vector<1x50x768xf32>,
    %slice3A_77 = vector.extract_strided_slice %get3A_3 {offsets = [7, 0], sizes = [1, 768], strides = [1, 1]} : vector<32x768xf32> to vector<1x768xf32>
    %squeeze3A_78 = vector.shape_cast %slice3A_77 : vector<1x768xf32> to vector<768xf32>
    %broadcast_in_dim3A_79 = vector.shape_cast %squeeze3A_78 : vector<768xf32> to vector<1x768xf32>
    %broadcast_in_dim3A_80 = vector.shape_cast %broadcast_in_dim3A_79 : vector<1x768xf32> to vector<1x768xf32>
    %broadcast_in_dim3A_81 = vector.broadcast %broadcast_in_dim3A_80 : vector<1x768xf32> to vector<50x768xf32>
    %swap3A_82 = arith.constant 0 : index
    %swap3A_83 = arith.constant 350 : index
    %swap3A_84 = arith.constant 0 : index
    %swap3A_85 = vector.load %arg3[%swap3A_82, %swap3A_83, %swap3A_84] : memref<1x1600x768xf32, #tpu.memory_space<vmem>>, vector<1x50x768xf32>
    %swap3A_86 = vector.shape_cast %swap3A_85 : vector<1x50x768xf32> to vector<50x768xf32>
    %swap3A_87 = vector.shape_cast %broadcast_in_dim3A_81 : vector<50x768xf32> to vector<1x50x768xf32>
    tpu.vector_store %arg3[%swap3A_82, %swap3A_83, %swap3A_84], %swap3A_87 {strides = array<i32>} : memref<1x1600x768xf32, #tpu.memory_space<vmem>>, vector<1x50x768xf32>,
    %slice3A_88 = vector.extract_strided_slice %get3A_3 {offsets = [8, 0], sizes = [1, 768], strides = [1, 1]} : vector<32x768xf32> to vector<1x768xf32>
    %squeeze3A_89 = vector.shape_cast %slice3A_88 : vector<1x768xf32> to vector<768xf32>
    %broadcast_in_dim3A_90 = vector.shape_cast %squeeze3A_89 : vector<768xf32> to vector<1x768xf32>
    %broadcast_in_dim3A_91 = vector.shape_cast %broadcast_in_dim3A_90 : vector<1x768xf32> to vector<1x768xf32>
    %broadcast_in_dim3A_92 = vector.broadcast %broadcast_in_dim3A_91 : vector<1x768xf32> to vector<50x768xf32>
    %swap3A_93 = arith.constant 0 : index
    %swap3A_94 = arith.constant 400 : index
    %swap3A_95 = arith.constant 0 : index
    %swap3A_96 = vector.load %arg3[%swap3A_93, %swap3A_94, %swap3A_95] : memref<1x1600x768xf32, #tpu.memory_space<vmem>>, vector<1x50x768xf32>
    %swap3A_97 = vector.shape_cast %swap3A_96 : vector<1x50x768xf32> to vector<50x768xf32>
    %swap3A_98 = vector.shape_cast %broadcast_in_dim3A_92 : vector<50x768xf32> to vector<1x50x768xf32>
    tpu.vector_store %arg3[%swap3A_93, %swap3A_94, %swap3A_95], %swap3A_98 {strides = array<i32>} : memref<1x1600x768xf32, #tpu.memory_space<vmem>>, vector<1x50x768xf32>,
    %slice3A_99 = vector.extract_strided_slice %get3A_3 {offsets = [9, 0], sizes = [1, 768], strides = [1, 1]} : vector<32x768xf32> to vector<1x768xf32>
    %squeeze3A_100 = vector.shape_cast %slice3A_99 : vector<1x768xf32> to vector<768xf32>
    %broadcast_in_dim3A_101 = vector.shape_cast %squeeze3A_100 : vector<768xf32> to vector<1x768xf32>
    %broadcast_in_dim3A_102 = vector.shape_cast %broadcast_in_dim3A_101 : vector<1x768xf32> to vector<1x768xf32>
    %broadcast_in_dim3A_103 = vector.broadcast %broadcast_in_dim3A_102 : vector<1x768xf32> to vector<50x768xf32>
    %swap3A_104 = arith.constant 0 : index
    %swap3A_105 = arith.constant 450 : index
    %swap3A_106 = arith.constant 0 : index
    %swap3A_107 = vector.load %arg3[%swap3A_104, %swap3A_105, %swap3A_106] : memref<1x1600x768xf32, #tpu.memory_space<vmem>>, vector<1x50x768xf32>
    %swap3A_108 = vector.shape_cast %swap3A_107 : vector<1x50x768xf32> to vector<50x768xf32>
    %swap3A_109 = vector.shape_cast %broadcast_in_dim3A_103 : vector<50x768xf32> to vector<1x50x768xf32>
    tpu.vector_store %arg3[%swap3A_104, %swap3A_105, %swap3A_106], %swap3A_109 {strides = array<i32>} : memref<1x1600x768xf32, #tpu.memory_space<vmem>>, vector<1x50x768xf32>,
    %slice3A_110 = vector.extract_strided_slice %get3A_3 {offsets = [10, 0], sizes = [1, 768], strides = [1, 1]} : vector<32x768xf32> to vector<1x768xf32>
    %squeeze3A_111 = vector.shape_cast %slice3A_110 : vector<1x768xf32> to vector<768xf32>
    %broadcast_in_dim3A_112 = vector.shape_cast %squeeze3A_111 : vector<768xf32> to vector<1x768xf32>
    %broadcast_in_dim3A_113 = vector.shape_cast %broadcast_in_dim3A_112 : vector<1x768xf32> to vector<1x768xf32>
    %broadcast_in_dim3A_114 = vector.broadcast %broadcast_in_dim3A_113 : vector<1x768xf32> to vector<50x768xf32>
    %swap3A_115 = arith.constant 0 : index
    %swap3A_116 = arith.constant 500 : index
    %swap3A_117 = arith.constant 0 : index
    %swap3A_118 = vector.load %arg3[%swap3A_115, %swap3A_116, %swap3A_117] : memref<1x1600x768xf32, #tpu.memory_space<vmem>>, vector<1x50x768xf32>
    %swap3A_119 = vector.shape_cast %swap3A_118 : vector<1x50x768xf32> to vector<50x768xf32>
    %swap3A_120 = vector.shape_cast %broadcast_in_dim3A_114 : vector<50x768xf32> to vector<1x50x768xf32>
    tpu.vector_store %arg3[%swap3A_115, %swap3A_116, %swap3A_117], %swap3A_120 {strides = array<i32>} : memref<1x1600x768xf32, #tpu.memory_space<vmem>>, vector<1x50x768xf32>,
    %slice3A_121 = vector.extract_strided_slice %get3A_3 {offsets = [11, 0], sizes = [1, 768], strides = [1, 1]} : vector<32x768xf32> to vector<1x768xf32>
    %squeeze3A_122 = vector.shape_cast %slice3A_121 : vector<1x768xf32> to vector<768xf32>
    %broadcast_in_dim3A_123 = vector.shape_cast %squeeze3A_122 : vector<768xf32> to vector<1x768xf32>
    %broadcast_in_dim3A_124 = vector.shape_cast %broadcast_in_dim3A_123 : vector<1x768xf32> to vector<1x768xf32>
    %broadcast_in_dim3A_125 = vector.broadcast %broadcast_in_dim3A_124 : vector<1x768xf32> to vector<50x768xf32>
    %swap3A_126 = arith.constant 0 : index
    %swap3A_127 = arith.constant 550 : index
    %swap3A_128 = arith.constant 0 : index
    %swap3A_129 = vector.load %arg3[%swap3A_126, %swap3A_127, %swap3A_128] : memref<1x1600x768xf32, #tpu.memory_space<vmem>>, vector<1x50x768xf32>
    %swap3A_130 = vector.shape_cast %swap3A_129 : vector<1x50x768xf32> to vector<50x768xf32>
    %swap3A_131 = vector.shape_cast %broadcast_in_dim3A_125 : vector<50x768xf32> to vector<1x50x768xf32>
    tpu.vector_store %arg3[%swap3A_126, %swap3A_127, %swap3A_128], %swap3A_131 {strides = array<i32>} : memref<1x1600x768xf32, #tpu.memory_space<vmem>>, vector<1x50x768xf32>,
    %slice3A_132 = vector.extract_strided_slice %get3A_3 {offsets = [12, 0], sizes = [1, 768], strides = [1, 1]} : vector<32x768xf32> to vector<1x768xf32>
    %squeeze3A_133 = vector.shape_cast %slice3A_132 : vector<1x768xf32> to vector<768xf32>
    %broadcast_in_dim3A_134 = vector.shape_cast %squeeze3A_133 : vector<768xf32> to vector<1x768xf32>
    %broadcast_in_dim3A_135 = vector.shape_cast %broadcast_in_dim3A_134 : vector<1x768xf32> to vector<1x768xf32>
    %broadcast_in_dim3A_136 = vector.broadcast %broadcast_in_dim3A_135 : vector<1x768xf32> to vector<50x768xf32>
    %swap3A_137 = arith.constant 0 : index
    %swap3A_138 = arith.constant 600 : index
    %swap3A_139 = arith.constant 0 : index
    %swap3A_140 = vector.load %arg3[%swap3A_137, %swap3A_138, %swap3A_139] : memref<1x1600x768xf32, #tpu.memory_space<vmem>>, vector<1x50x768xf32>
    %swap3A_141 = vector.shape_cast %swap3A_140 : vector<1x50x768xf32> to vector<50x768xf32>
    %swap3A_142 = vector.shape_cast %broadcast_in_dim3A_136 : vector<50x768xf32> to vector<1x50x768xf32>
    tpu.vector_store %arg3[%swap3A_137, %swap3A_138, %swap3A_139], %swap3A_142 {strides = array<i32>} : memref<1x1600x768xf32, #tpu.memory_space<vmem>>, vector<1x50x768xf32>,
    %slice3A_143 = vector.extract_strided_slice %get3A_3 {offsets = [13, 0], sizes = [1, 768], strides = [1, 1]} : vector<32x768xf32> to vector<1x768xf32>
    %squeeze3A_144 = vector.shape_cast %slice3A_143 : vector<1x768xf32> to vector<768xf32>
    %broadcast_in_dim3A_145 = vector.shape_cast %squeeze3A_144 : vector<768xf32> to vector<1x768xf32>
    %broadcast_in_dim3A_146 = vector.shape_cast %broadcast_in_dim3A_145 : vector<1x768xf32> to vector<1x768xf32>
    %broadcast_in_dim3A_147 = vector.broadcast %broadcast_in_dim3A_146 : vector<1x768xf32> to vector<50x768xf32>
    %swap3A_148 = arith.constant 0 : index
    %swap3A_149 = arith.constant 650 : index
    %swap3A_150 = arith.constant 0 : index
    %swap3A_151 = vector.load %arg3[%swap3A_148, %swap3A_149, %swap3A_150] : memref<1x1600x768xf32, #tpu.memory_space<vmem>>, vector<1x50x768xf32>
    %swap3A_152 = vector.shape_cast %swap3A_151 : vector<1x50x768xf32> to vector<50x768xf32>
    %swap3A_153 = vector.shape_cast %broadcast_in_dim3A_147 : vector<50x768xf32> to vector<1x50x768xf32>
    tpu.vector_store %arg3[%swap3A_148, %swap3A_149, %swap3A_150], %swap3A_153 {strides = array<i32>} : memref<1x1600x768xf32, #tpu.memory_space<vmem>>, vector<1x50x768xf32>,
    %slice3A_154 = vector.extract_strided_slice %get3A_3 {offsets = [14, 0], sizes = [1, 768], strides = [1, 1]} : vector<32x768xf32> to vector<1x768xf32>
    %squeeze3A_155 = vector.shape_cast %slice3A_154 : vector<1x768xf32> to vector<768xf32>
    %broadcast_in_dim3A_156 = vector.shape_cast %squeeze3A_155 : vector<768xf32> to vector<1x768xf32>
    %broadcast_in_dim3A_157 = vector.shape_cast %broadcast_in_dim3A_156 : vector<1x768xf32> to vector<1x768xf32>
    %broadcast_in_dim3A_158 = vector.broadcast %broadcast_in_dim3A_157 : vector<1x768xf32> to vector<50x768xf32>
    %swap3A_159 = arith.constant 0 : index
    %swap3A_160 = arith.constant 700 : index
    %swap3A_161 = arith.constant 0 : index
    %swap3A_162 = vector.load %arg3[%swap3A_159, %swap3A_160, %swap3A_161] : memref<1x1600x768xf32, #tpu.memory_space<vmem>>, vector<1x50x768xf32>
    %swap3A_163 = vector.shape_cast %swap3A_162 : vector<1x50x768xf32> to vector<50x768xf32>
    %swap3A_164 = vector.shape_cast %broadcast_in_dim3A_158 : vector<50x768xf32> to vector<1x50x768xf32>
    tpu.vector_store %arg3[%swap3A_159, %swap3A_160, %swap3A_161], %swap3A_164 {strides = array<i32>} : memref<1x1600x768xf32, #tpu.memory_space<vmem>>, vector<1x50x768xf32>,
    %slice3A_165 = vector.extract_strided_slice %get3A_3 {offsets = [15, 0], sizes = [1, 768], strides = [1, 1]} : vector<32x768xf32> to vector<1x768xf32>
    %squeeze3A_166 = vector.shape_cast %slice3A_165 : vector<1x768xf32> to vector<768xf32>
    %broadcast_in_dim3A_167 = vector.shape_cast %squeeze3A_166 : vector<768xf32> to vector<1x768xf32>
    %broadcast_in_dim3A_168 = vector.shape_cast %broadcast_in_dim3A_167 : vector<1x768xf32> to vector<1x768xf32>
    %broadcast_in_dim3A_169 = vector.broadcast %broadcast_in_dim3A_168 : vector<1x768xf32> to vector<50x768xf32>
    %swap3A_170 = arith.constant 0 : index
    %swap3A_171 = arith.constant 750 : index
    %swap3A_172 = arith.constant 0 : index
    %swap3A_173 = vector.load %arg3[%swap3A_170, %swap3A_171, %swap3A_172] : memref<1x1600x768xf32, #tpu.memory_space<vmem>>, vector<1x50x768xf32>
    %swap3A_174 = vector.shape_cast %swap3A_173 : vector<1x50x768xf32> to vector<50x768xf32>
    %swap3A_175 = vector.shape_cast %broadcast_in_dim3A_169 : vector<50x768xf32> to vector<1x50x768xf32>
    tpu.vector_store %arg3[%swap3A_170, %swap3A_171, %swap3A_172], %swap3A_175 {strides = array<i32>} : memref<1x1600x768xf32, #tpu.memory_space<vmem>>, vector<1x50x768xf32>,
    %slice3A_176 = vector.extract_strided_slice %get3A_3 {offsets = [16, 0], sizes = [1, 768], strides = [1, 1]} : vector<32x768xf32> to vector<1x768xf32>
    %squeeze3A_177 = vector.shape_cast %slice3A_176 : vector<1x768xf32> to vector<768xf32>
    %broadcast_in_dim3A_178 = vector.shape_cast %squeeze3A_177 : vector<768xf32> to vector<1x768xf32>
    %broadcast_in_dim3A_179 = vector.shape_cast %broadcast_in_dim3A_178 : vector<1x768xf32> to vector<1x768xf32>
    %broadcast_in_dim3A_180 = vector.broadcast %broadcast_in_dim3A_179 : vector<1x768xf32> to vector<50x768xf32>
    %swap3A_181 = arith.constant 0 : index
    %swap3A_182 = arith.constant 800 : index
    %swap3A_183 = arith.constant 0 : index
    %swap3A_184 = vector.load %arg3[%swap3A_181, %swap3A_182, %swap3A_183] : memref<1x1600x768xf32, #tpu.memory_space<vmem>>, vector<1x50x768xf32>
    %swap3A_185 = vector.shape_cast %swap3A_184 : vector<1x50x768xf32> to vector<50x768xf32>
    %swap3A_186 = vector.shape_cast %broadcast_in_dim3A_180 : vector<50x768xf32> to vector<1x50x768xf32>
    tpu.vector_store %arg3[%swap3A_181, %swap3A_182, %swap3A_183], %swap3A_186 {strides = array<i32>} : memref<1x1600x768xf32, #tpu.memory_space<vmem>>, vector<1x50x768xf32>,
    %slice3A_187 = vector.extract_strided_slice %get3A_3 {offsets = [17, 0], sizes = [1, 768], strides = [1, 1]} : vector<32x768xf32> to vector<1x768xf32>
    %squeeze3A_188 = vector.shape_cast %slice3A_187 : vector<1x768xf32> to vector<768xf32>
    %broadcast_in_dim3A_189 = vector.shape_cast %squeeze3A_188 : vector<768xf32> to vector<1x768xf32>
    %broadcast_in_dim3A_190 = vector.shape_cast %broadcast_in_dim3A_189 : vector<1x768xf32> to vector<1x768xf32>
    %broadcast_in_dim3A_191 = vector.broadcast %broadcast_in_dim3A_190 : vector<1x768xf32> to vector<50x768xf32>
    %swap3A_192 = arith.constant 0 : index
    %swap3A_193 = arith.constant 850 : index
    %swap3A_194 = arith.constant 0 : index
    %swap3A_195 = vector.load %arg3[%swap3A_192, %swap3A_193, %swap3A_194] : memref<1x1600x768xf32, #tpu.memory_space<vmem>>, vector<1x50x768xf32>
    %swap3A_196 = vector.shape_cast %swap3A_195 : vector<1x50x768xf32> to vector<50x768xf32>
    %swap3A_197 = vector.shape_cast %broadcast_in_dim3A_191 : vector<50x768xf32> to vector<1x50x768xf32>
    tpu.vector_store %arg3[%swap3A_192, %swap3A_193, %swap3A_194], %swap3A_197 {strides = array<i32>} : memref<1x1600x768xf32, #tpu.memory_space<vmem>>, vector<1x50x768xf32>,
    %slice3A_198 = vector.extract_strided_slice %get3A_3 {offsets = [18, 0], sizes = [1, 768], strides = [1, 1]} : vector<32x768xf32> to vector<1x768xf32>
    %squeeze3A_199 = vector.shape_cast %slice3A_198 : vector<1x768xf32> to vector<768xf32>
    %broadcast_in_dim3A_200 = vector.shape_cast %squeeze3A_199 : vector<768xf32> to vector<1x768xf32>
    %broadcast_in_dim3A_201 = vector.shape_cast %broadcast_in_dim3A_200 : vector<1x768xf32> to vector<1x768xf32>
    %broadcast_in_dim3A_202 = vector.broadcast %broadcast_in_dim3A_201 : vector<1x768xf32> to vector<50x768xf32>
    %swap3A_203 = arith.constant 0 : index
    %swap3A_204 = arith.constant 900 : index
    %swap3A_205 = arith.constant 0 : index
    %swap3A_206 = vector.load %arg3[%swap3A_203, %swap3A_204, %swap3A_205] : memref<1x1600x768xf32, #tpu.memory_space<vmem>>, vector<1x50x768xf32>
    %swap3A_207 = vector.shape_cast %swap3A_206 : vector<1x50x768xf32> to vector<50x768xf32>
    %swap3A_208 = vector.shape_cast %broadcast_in_dim3A_202 : vector<50x768xf32> to vector<1x50x768xf32>
    tpu.vector_store %arg3[%swap3A_203, %swap3A_204, %swap3A_205], %swap3A_208 {strides = array<i32>} : memref<1x1600x768xf32, #tpu.memory_space<vmem>>, vector<1x50x768xf32>,
    %slice3A_209 = vector.extract_strided_slice %get3A_3 {offsets = [19, 0], sizes = [1, 768], strides = [1, 1]} : vector<32x768xf32> to vector<1x768xf32>
    %squeeze3A_210 = vector.shape_cast %slice3A_209 : vector<1x768xf32> to vector<768xf32>
    %broadcast_in_dim3A_211 = vector.shape_cast %squeeze3A_210 : vector<768xf32> to vector<1x768xf32>
    %broadcast_in_dim3A_212 = vector.shape_cast %broadcast_in_dim3A_211 : vector<1x768xf32> to vector<1x768xf32>
    %broadcast_in_dim3A_213 = vector.broadcast %broadcast_in_dim3A_212 : vector<1x768xf32> to vector<50x768xf32>
    %swap3A_214 = arith.constant 0 : index
    %swap3A_215 = arith.constant 950 : index
    %swap3A_216 = arith.constant 0 : index
    %swap3A_217 = vector.load %arg3[%swap3A_214, %swap3A_215, %swap3A_216] : memref<1x1600x768xf32, #tpu.memory_space<vmem>>, vector<1x50x768xf32>
    %swap3A_218 = vector.shape_cast %swap3A_217 : vector<1x50x768xf32> to vector<50x768xf32>
    %swap3A_219 = vector.shape_cast %broadcast_in_dim3A_213 : vector<50x768xf32> to vector<1x50x768xf32>
    tpu.vector_store %arg3[%swap3A_214, %swap3A_215, %swap3A_216], %swap3A_219 {strides = array<i32>} : memref<1x1600x768xf32, #tpu.memory_space<vmem>>, vector<1x50x768xf32>,
    %slice3A_220 = vector.extract_strided_slice %get3A_3 {offsets = [20, 0], sizes = [1, 768], strides = [1, 1]} : vector<32x768xf32> to vector<1x768xf32>
    %squeeze3A_221 = vector.shape_cast %slice3A_220 : vector<1x768xf32> to vector<768xf32>
    %broadcast_in_dim3A_222 = vector.shape_cast %squeeze3A_221 : vector<768xf32> to vector<1x768xf32>
    %broadcast_in_dim3A_223 = vector.shape_cast %broadcast_in_dim3A_222 : vector<1x768xf32> to vector<1x768xf32>
    %broadcast_in_dim3A_224 = vector.broadcast %broadcast_in_dim3A_223 : vector<1x768xf32> to vector<50x768xf32>
    %swap3A_225 = arith.constant 0 : index
    %swap3A_226 = arith.constant 1000 : index
    %swap3A_227 = arith.constant 0 : index
    %swap3A_228 = vector.load %arg3[%swap3A_225, %swap3A_226, %swap3A_227] : memref<1x1600x768xf32, #tpu.memory_space<vmem>>, vector<1x50x768xf32>
    %swap3A_229 = vector.shape_cast %swap3A_228 : vector<1x50x768xf32> to vector<50x768xf32>
    %swap3A_230 = vector.shape_cast %broadcast_in_dim3A_224 : vector<50x768xf32> to vector<1x50x768xf32>
    tpu.vector_store %arg3[%swap3A_225, %swap3A_226, %swap3A_227], %swap3A_230 {strides = array<i32>} : memref<1x1600x768xf32, #tpu.memory_space<vmem>>, vector<1x50x768xf32>,
    %slice3A_231 = vector.extract_strided_slice %get3A_3 {offsets = [21, 0], sizes = [1, 768], strides = [1, 1]} : vector<32x768xf32> to vector<1x768xf32>
    %squeeze3A_232 = vector.shape_cast %slice3A_231 : vector<1x768xf32> to vector<768xf32>
    %broadcast_in_dim3A_233 = vector.shape_cast %squeeze3A_232 : vector<768xf32> to vector<1x768xf32>
    %broadcast_in_dim3A_234 = vector.shape_cast %broadcast_in_dim3A_233 : vector<1x768xf32> to vector<1x768xf32>
    %broadcast_in_dim3A_235 = vector.broadcast %broadcast_in_dim3A_234 : vector<1x768xf32> to vector<50x768xf32>
    %swap3A_236 = arith.constant 0 : index
    %swap3A_237 = arith.constant 1050 : index
    %swap3A_238 = arith.constant 0 : index
    %swap3A_239 = vector.load %arg3[%swap3A_236, %swap3A_237, %swap3A_238] : memref<1x1600x768xf32, #tpu.memory_space<vmem>>, vector<1x50x768xf32>
    %swap3A_240 = vector.shape_cast %swap3A_239 : vector<1x50x768xf32> to vector<50x768xf32>
    %swap3A_241 = vector.shape_cast %broadcast_in_dim3A_235 : vector<50x768xf32> to vector<1x50x768xf32>
    tpu.vector_store %arg3[%swap3A_236, %swap3A_237, %swap3A_238], %swap3A_241 {strides = array<i32>} : memref<1x1600x768xf32, #tpu.memory_space<vmem>>, vector<1x50x768xf32>,
    %slice3A_242 = vector.extract_strided_slice %get3A_3 {offsets = [22, 0], sizes = [1, 768], strides = [1, 1]} : vector<32x768xf32> to vector<1x768xf32>
    %squeeze3A_243 = vector.shape_cast %slice3A_242 : vector<1x768xf32> to vector<768xf32>
    %broadcast_in_dim3A_244 = vector.shape_cast %squeeze3A_243 : vector<768xf32> to vector<1x768xf32>
    %broadcast_in_dim3A_245 = vector.shape_cast %broadcast_in_dim3A_244 : vector<1x768xf32> to vector<1x768xf32>
    %broadcast_in_dim3A_246 = vector.broadcast %broadcast_in_dim3A_245 : vector<1x768xf32> to vector<50x768xf32>
    %swap3A_247 = arith.constant 0 : index
    %swap3A_248 = arith.constant 1100 : index
    %swap3A_249 = arith.constant 0 : index
    %swap3A_250 = vector.load %arg3[%swap3A_247, %swap3A_248, %swap3A_249] : memref<1x1600x768xf32, #tpu.memory_space<vmem>>, vector<1x50x768xf32>
    %swap3A_251 = vector.shape_cast %swap3A_250 : vector<1x50x768xf32> to vector<50x768xf32>
    %swap3A_252 = vector.shape_cast %broadcast_in_dim3A_246 : vector<50x768xf32> to vector<1x50x768xf32>
    tpu.vector_store %arg3[%swap3A_247, %swap3A_248, %swap3A_249], %swap3A_252 {strides = array<i32>} : memref<1x1600x768xf32, #tpu.memory_space<vmem>>, vector<1x50x768xf32>,
    %slice3A_253 = vector.extract_strided_slice %get3A_3 {offsets = [23, 0], sizes = [1, 768], strides = [1, 1]} : vector<32x768xf32> to vector<1x768xf32>
    %squeeze3A_254 = vector.shape_cast %slice3A_253 : vector<1x768xf32> to vector<768xf32>
    %broadcast_in_dim3A_255 = vector.shape_cast %squeeze3A_254 : vector<768xf32> to vector<1x768xf32>
    %broadcast_in_dim3A_256 = vector.shape_cast %broadcast_in_dim3A_255 : vector<1x768xf32> to vector<1x768xf32>
    %broadcast_in_dim3A_257 = vector.broadcast %broadcast_in_dim3A_256 : vector<1x768xf32> to vector<50x768xf32>
    %swap3A_258 = arith.constant 0 : index
    %swap3A_259 = arith.constant 1150 : index
    %swap3A_260 = arith.constant 0 : index
    %swap3A_261 = vector.load %arg3[%swap3A_258, %swap3A_259, %swap3A_260] : memref<1x1600x768xf32, #tpu.memory_space<vmem>>, vector<1x50x768xf32>
    %swap3A_262 = vector.shape_cast %swap3A_261 : vector<1x50x768xf32> to vector<50x768xf32>
    %swap3A_263 = vector.shape_cast %broadcast_in_dim3A_257 : vector<50x768xf32> to vector<1x50x768xf32>
    tpu.vector_store %arg3[%swap3A_258, %swap3A_259, %swap3A_260], %swap3A_263 {strides = array<i32>} : memref<1x1600x768xf32, #tpu.memory_space<vmem>>, vector<1x50x768xf32>,
    %slice3A_264 = vector.extract_strided_slice %get3A_3 {offsets = [24, 0], sizes = [1, 768], strides = [1, 1]} : vector<32x768xf32> to vector<1x768xf32>
    %squeeze3A_265 = vector.shape_cast %slice3A_264 : vector<1x768xf32> to vector<768xf32>
    %broadcast_in_dim3A_266 = vector.shape_cast %squeeze3A_265 : vector<768xf32> to vector<1x768xf32>
    %broadcast_in_dim3A_267 = vector.shape_cast %broadcast_in_dim3A_266 : vector<1x768xf32> to vector<1x768xf32>
    %broadcast_in_dim3A_268 = vector.broadcast %broadcast_in_dim3A_267 : vector<1x768xf32> to vector<50x768xf32>
    %swap3A_269 = arith.constant 0 : index
    %swap3A_270 = arith.constant 1200 : index
    %swap3A_271 = arith.constant 0 : index
    %swap3A_272 = vector.load %arg3[%swap3A_269, %swap3A_270, %swap3A_271] : memref<1x1600x768xf32, #tpu.memory_space<vmem>>, vector<1x50x768xf32>
    %swap3A_273 = vector.shape_cast %swap3A_272 : vector<1x50x768xf32> to vector<50x768xf32>
    %swap3A_274 = vector.shape_cast %broadcast_in_dim3A_268 : vector<50x768xf32> to vector<1x50x768xf32>
    tpu.vector_store %arg3[%swap3A_269, %swap3A_270, %swap3A_271], %swap3A_274 {strides = array<i32>} : memref<1x1600x768xf32, #tpu.memory_space<vmem>>, vector<1x50x768xf32>,
    %slice3A_275 = vector.extract_strided_slice %get3A_3 {offsets = [25, 0], sizes = [1, 768], strides = [1, 1]} : vector<32x768xf32> to vector<1x768xf32>
    %squeeze3A_276 = vector.shape_cast %slice3A_275 : vector<1x768xf32> to vector<768xf32>
    %broadcast_in_dim3A_277 = vector.shape_cast %squeeze3A_276 : vector<768xf32> to vector<1x768xf32>
    %broadcast_in_dim3A_278 = vector.shape_cast %broadcast_in_dim3A_277 : vector<1x768xf32> to vector<1x768xf32>
    %broadcast_in_dim3A_279 = vector.broadcast %broadcast_in_dim3A_278 : vector<1x768xf32> to vector<50x768xf32>
    %swap3A_280 = arith.constant 0 : index
    %swap3A_281 = arith.constant 1250 : index
    %swap3A_282 = arith.constant 0 : index
    %swap3A_283 = vector.load %arg3[%swap3A_280, %swap3A_281, %swap3A_282] : memref<1x1600x768xf32, #tpu.memory_space<vmem>>, vector<1x50x768xf32>
    %swap3A_284 = vector.shape_cast %swap3A_283 : vector<1x50x768xf32> to vector<50x768xf32>
    %swap3A_285 = vector.shape_cast %broadcast_in_dim3A_279 : vector<50x768xf32> to vector<1x50x768xf32>
    tpu.vector_store %arg3[%swap3A_280, %swap3A_281, %swap3A_282], %swap3A_285 {strides = array<i32>} : memref<1x1600x768xf32, #tpu.memory_space<vmem>>, vector<1x50x768xf32>,
    %slice3A_286 = vector.extract_strided_slice %get3A_3 {offsets = [26, 0], sizes = [1, 768], strides = [1, 1]} : vector<32x768xf32> to vector<1x768xf32>
    %squeeze3A_287 = vector.shape_cast %slice3A_286 : vector<1x768xf32> to vector<768xf32>
    %broadcast_in_dim3A_288 = vector.shape_cast %squeeze3A_287 : vector<768xf32> to vector<1x768xf32>
    %broadcast_in_dim3A_289 = vector.shape_cast %broadcast_in_dim3A_288 : vector<1x768xf32> to vector<1x768xf32>
    %broadcast_in_dim3A_290 = vector.broadcast %broadcast_in_dim3A_289 : vector<1x768xf32> to vector<50x768xf32>
    %swap3A_291 = arith.constant 0 : index
    %swap3A_292 = arith.constant 1300 : index
    %swap3A_293 = arith.constant 0 : index
    %swap3A_294 = vector.load %arg3[%swap3A_291, %swap3A_292, %swap3A_293] : memref<1x1600x768xf32, #tpu.memory_space<vmem>>, vector<1x50x768xf32>
    %swap3A_295 = vector.shape_cast %swap3A_294 : vector<1x50x768xf32> to vector<50x768xf32>
    %swap3A_296 = vector.shape_cast %broadcast_in_dim3A_290 : vector<50x768xf32> to vector<1x50x768xf32>
    tpu.vector_store %arg3[%swap3A_291, %swap3A_292, %swap3A_293], %swap3A_296 {strides = array<i32>} : memref<1x1600x768xf32, #tpu.memory_space<vmem>>, vector<1x50x768xf32>,
    %slice3A_297 = vector.extract_strided_slice %get3A_3 {offsets = [27, 0], sizes = [1, 768], strides = [1, 1]} : vector<32x768xf32> to vector<1x768xf32>
    %squeeze3A_298 = vector.shape_cast %slice3A_297 : vector<1x768xf32> to vector<768xf32>
    %broadcast_in_dim3A_299 = vector.shape_cast %squeeze3A_298 : vector<768xf32> to vector<1x768xf32>
    %broadcast_in_dim3A_300 = vector.shape_cast %broadcast_in_dim3A_299 : vector<1x768xf32> to vector<1x768xf32>
    %broadcast_in_dim3A_301 = vector.broadcast %broadcast_in_dim3A_300 : vector<1x768xf32> to vector<50x768xf32>
    %swap3A_302 = arith.constant 0 : index
    %swap3A_303 = arith.constant 1350 : index
    %swap3A_304 = arith.constant 0 : index
    %swap3A_305 = vector.load %arg3[%swap3A_302, %swap3A_303, %swap3A_304] : memref<1x1600x768xf32, #tpu.memory_space<vmem>>, vector<1x50x768xf32>
    %swap3A_306 = vector.shape_cast %swap3A_305 : vector<1x50x768xf32> to vector<50x768xf32>
    %swap3A_307 = vector.shape_cast %broadcast_in_dim3A_301 : vector<50x768xf32> to vector<1x50x768xf32>
    tpu.vector_store %arg3[%swap3A_302, %swap3A_303, %swap3A_304], %swap3A_307 {strides = array<i32>} : memref<1x1600x768xf32, #tpu.memory_space<vmem>>, vector<1x50x768xf32>,
    %slice3A_308 = vector.extract_strided_slice %get3A_3 {offsets = [28, 0], sizes = [1, 768], strides = [1, 1]} : vector<32x768xf32> to vector<1x768xf32>
    %squeeze3A_309 = vector.shape_cast %slice3A_308 : vector<1x768xf32> to vector<768xf32>
    %broadcast_in_dim3A_310 = vector.shape_cast %squeeze3A_309 : vector<768xf32> to vector<1x768xf32>
    %broadcast_in_dim3A_311 = vector.shape_cast %broadcast_in_dim3A_310 : vector<1x768xf32> to vector<1x768xf32>
    %broadcast_in_dim3A_312 = vector.broadcast %broadcast_in_dim3A_311 : vector<1x768xf32> to vector<50x768xf32>
    %swap3A_313 = arith.constant 0 : index
    %swap3A_314 = arith.constant 1400 : index
    %swap3A_315 = arith.constant 0 : index
    %swap3A_316 = vector.load %arg3[%swap3A_313, %swap3A_314, %swap3A_315] : memref<1x1600x768xf32, #tpu.memory_space<vmem>>, vector<1x50x768xf32>
    %swap3A_317 = vector.shape_cast %swap3A_316 : vector<1x50x768xf32> to vector<50x768xf32>
    %swap3A_318 = vector.shape_cast %broadcast_in_dim3A_312 : vector<50x768xf32> to vector<1x50x768xf32>
    tpu.vector_store %arg3[%swap3A_313, %swap3A_314, %swap3A_315], %swap3A_318 {strides = array<i32>} : memref<1x1600x768xf32, #tpu.memory_space<vmem>>, vector<1x50x768xf32>,
    %slice3A_319 = vector.extract_strided_slice %get3A_3 {offsets = [29, 0], sizes = [1, 768], strides = [1, 1]} : vector<32x768xf32> to vector<1x768xf32>
    %squeeze3A_320 = vector.shape_cast %slice3A_319 : vector<1x768xf32> to vector<768xf32>
    %broadcast_in_dim3A_321 = vector.shape_cast %squeeze3A_320 : vector<768xf32> to vector<1x768xf32>
    %broadcast_in_dim3A_322 = vector.shape_cast %broadcast_in_dim3A_321 : vector<1x768xf32> to vector<1x768xf32>
    %broadcast_in_dim3A_323 = vector.broadcast %broadcast_in_dim3A_322 : vector<1x768xf32> to vector<50x768xf32>
    %swap3A_324 = arith.constant 0 : index
    %swap3A_325 = arith.constant 1450 : index
    %swap3A_326 = arith.constant 0 : index
    %swap3A_327 = vector.load %arg3[%swap3A_324, %swap3A_325, %swap3A_326] : memref<1x1600x768xf32, #tpu.memory_space<vmem>>, vector<1x50x768xf32>
    %swap3A_328 = vector.shape_cast %swap3A_327 : vector<1x50x768xf32> to vector<50x768xf32>
    %swap3A_329 = vector.shape_cast %broadcast_in_dim3A_323 : vector<50x768xf32> to vector<1x50x768xf32>
    tpu.vector_store %arg3[%swap3A_324, %swap3A_325, %swap3A_326], %swap3A_329 {strides = array<i32>} : memref<1x1600x768xf32, #tpu.memory_space<vmem>>, vector<1x50x768xf32>,
    %slice3A_330 = vector.extract_strided_slice %get3A_3 {offsets = [30, 0], sizes = [1, 768], strides = [1, 1]} : vector<32x768xf32> to vector<1x768xf32>
    %squeeze3A_331 = vector.shape_cast %slice3A_330 : vector<1x768xf32> to vector<768xf32>
    %broadcast_in_dim3A_332 = vector.shape_cast %squeeze3A_331 : vector<768xf32> to vector<1x768xf32>
    %broadcast_in_dim3A_333 = vector.shape_cast %broadcast_in_dim3A_332 : vector<1x768xf32> to vector<1x768xf32>
    %broadcast_in_dim3A_334 = vector.broadcast %broadcast_in_dim3A_333 : vector<1x768xf32> to vector<50x768xf32>
    %swap3A_335 = arith.constant 0 : index
    %swap3A_336 = arith.constant 1500 : index
    %swap3A_337 = arith.constant 0 : index
    %swap3A_338 = vector.load %arg3[%swap3A_335, %swap3A_336, %swap3A_337] : memref<1x1600x768xf32, #tpu.memory_space<vmem>>, vector<1x50x768xf32>
    %swap3A_339 = vector.shape_cast %swap3A_338 : vector<1x50x768xf32> to vector<50x768xf32>
    %swap3A_340 = vector.shape_cast %broadcast_in_dim3A_334 : vector<50x768xf32> to vector<1x50x768xf32>
    tpu.vector_store %arg3[%swap3A_335, %swap3A_336, %swap3A_337], %swap3A_340 {strides = array<i32>} : memref<1x1600x768xf32, #tpu.memory_space<vmem>>, vector<1x50x768xf32>,
    %slice3A_341 = vector.extract_strided_slice %get3A_3 {offsets = [31, 0], sizes = [1, 768], strides = [1, 1]} : vector<32x768xf32> to vector<1x768xf32>
    %squeeze3A_342 = vector.shape_cast %slice3A_341 : vector<1x768xf32> to vector<768xf32>
    %broadcast_in_dim3A_343 = vector.shape_cast %squeeze3A_342 : vector<768xf32> to vector<1x768xf32>
    %broadcast_in_dim3A_344 = vector.shape_cast %broadcast_in_dim3A_343 : vector<1x768xf32> to vector<1x768xf32>
    %broadcast_in_dim3A_345 = vector.broadcast %broadcast_in_dim3A_344 : vector<1x768xf32> to vector<50x768xf32>
    %swap3A_346 = arith.constant 0 : index
    %swap3A_347 = arith.constant 1550 : index
    %swap3A_348 = arith.constant 0 : index
    %swap3A_349 = vector.load %arg3[%swap3A_346, %swap3A_347, %swap3A_348] : memref<1x1600x768xf32, #tpu.memory_space<vmem>>, vector<1x50x768xf32>
    %swap3A_350 = vector.shape_cast %swap3A_349 : vector<1x50x768xf32> to vector<50x768xf32>
    %swap3A_351 = vector.shape_cast %broadcast_in_dim3A_345 : vector<50x768xf32> to vector<1x50x768xf32>
    tpu.vector_store %arg3[%swap3A_346, %swap3A_347, %swap3A_348], %swap3A_351 {strides = array<i32>} : memref<1x1600x768xf32, #tpu.memory_space<vmem>>, vector<1x50x768xf32>,
    return
  }
  func.func @transform_1(%arg0: i32) -> (i32, i32, i32) {
    %c0_i32 = arith.constant 0 : i32
    %c0_i32_0 = arith.constant 0 : i32
    %c0_i32_1 = arith.constant 0 : i32
    %c0_i32_2 = arith.constant 0 : i32
    return %c0_i32, %c0_i32_0, %c0_i32_1 : i32, i32, i32
  }
  func.func @transform_2(%arg0: i32) -> (i32, i32, i32) {
    %add3A = arith.constant 1 : i32
    %add3A_0 = arith.addi %arg0, %add3A : i32
    %c0_i32 = arith.constant 0 : i32
    %c0_i32_1 = arith.constant 0 : i32
    %c0_i32_2 = arith.constant 0 : i32
    return %add3A_0, %c0_i32, %c0_i32_1 : i32, i32, i32
  }
}

</mosaic_0001>

<sc_bundles>
// kernel: kernel.6.cloned.1.call-start
scs
__scs_entry_jumppad:
0x0: {  	(pc) =	sbr.rel $0x88, $3  }
0x1: {  	(tag) =	ssettag $0x0;
	lr =	simm.s32 $0x1  }
0x2: {  	[smem:$0x3F9D] =	sst lr;
	_ =	strace $0xD0000000  }
0x3: {  	_ = 	snop  }
0x4: {  	_ = 	snop  }
0x5: {  	_ = 	snop  }
0x6: {  	_ = 	snop  }
0x7: {  	_ = 	snop  }
__scs_overlays_trampoline_lowered:
0x8: {  	[smem:$0x3FAC] =	sst s0  }
0x9: {  	[smem:$0x3FAD] =	sst s1  }
0xa: {  	[smem:$0x3FAE] =	sst s2  }
0xb: {  	[smem:$0x3FAF] =	sst s3  }
0xc: {  	[smem:$0x3FB0] =	sst s4  }
0xd: {  	[smem:$0x3FB1] =	sst s5  }
0xe: {  	[smem:$0x3FB2] =	sst s6  }
0xf: {  	[smem:$0x3FB3] =	sst s7  }
0x10: {  	[smem:$0x3FB4] =	sst s8  }
0x11: {  	[smem:$0x3FB5] =	sst s9;
	s0 =	simm.s32 @!p0 $0x0  }
0x12: {  	s1 =	sld [smem:$0x3F9B];
	s0 =	simm.s32 @p0 $0x1  }
0x13: {  	[smem:$0x3FB6] =	sst s0;
	s0 =	simm.s32 @!p1 $0x0  }
0x14: {  	s2 =	sld [smem:$0x3F9A];
	s0 =	simm.s32 @p1 $0x1  }
0x15: {  	[smem:$0x3FB7] =	sst s0;
	s0 =	simm.s32 @!p2 $0x0  }
0x16: {  	s3 =	sld [smem:$0x3FDB];
	s0 =	simm.s32 @p2 $0x1  }
0x17: {  	s4 =	simm.s32 $0x1BF5;
	[smem:$0x3FB9] =	sst s0  }
0x18: {  	s0 =	sld [smem:$0x3F9C];
	_ =	swait.ge [sflag:s4], $0x0  }
0x19: {  	s7 =	sld [smem:$0x3F9D]  }
0x1a: {  	s8 =	sadd.s32 $0xFFFFE003, lr  }
0x1b: {  	s9 =	sadd.s32 $0xFFFFFEF7, lr;
	s5 =	simm.s32 $0xFFFFFFFF;
	p2 =	slt.u32 s8, $0xFFFFF086  }
0x1c: {  	p1 =	slt.u32 s9, $0xF7A;
	s5 =	simm.s32 @!p2 $0x0  }
0x1d: {  	s5 =	simm.s32 @p1 $0x1;
	p0 =	seq.s32 s7, s2  }
0x1e: {  	s7 =	smul.u32 @!p0 $0xF7A, s2;
	p2 =	seq.s32 @!p0 s5, $0x0  }
0x1f: {  	s9 =	smul.u32 $0xF7A, s1;
	s8 =	simm.s32 @!p0 $0x1BF5;
	p2 =	por !p2, p0  }
0x20: {  	[sflag:s8] =	ssyncset.s32 @!p0 $0xFFFFF086;
	s6 =	sadd.s32 @!p0 s3, s7;
	s7 =	simm.s32 @!p0 $0x108  }
0x21: {  	s3 =	sadd.s32 s3, s9;
	s6 =	sadd.s32 @!p0 $0x88, s6;
	s7 =	simm.s32 @p2 $0x1082  }
0x22: {  	[simem:s7], [sflag:s8] =	dma.local @!p0 [hbm:s6], $0xF7A  }
0x23: {  	s9 =	sor.u32 $0xD0000000, s2;
	s6 =	simm.s32 $0x108;
	_ =	swait.ge @!p0 [sflag:s8], $0x0  }
0x24: {  	s3 =	sadd.s32 $0x88, s3;
	s6 =	simm.s32 @!p1 $0x1082;
	[sflag:s4] =	ssyncset.s32 $0xFFFFF086  }
0x25: {  	[simem:s6], [sflag:s4] =	dma.local [hbm:s3], $0xF7A  }
0x26: {  	[smem:$0x3F9D] =	sst s1;
	(tag) =	ssettag s2;
	_ =	strace s9  }
0x27: {  	s1 =	sld [smem:$0x3FAD]  }
0x28: {  	s2 =	sld [smem:$0x3FAE]  }
0x29: {  	s4 =	sld [smem:$0x3FB0]  }
0x2a: {  	p0 =	seq.s32 s5, $0x0;
	s5 =	sld [smem:$0x3FB1]  }
0x2b: {  	s6 =	sld [smem:$0x3FB2]  }
0x2c: {  	s7 =	sld [smem:$0x3FB3]  }
0x2d: {  	s3 =	simm.s32 $0x108;
	s8 =	sld [smem:$0x3FB4]  }
0x2e: {  	s3 =	simm.s32 @!p0 $0x1082;
	s9 =	sld [smem:$0x3FB5]  }
0x2f: {  	lr =	sadd.s32 s0, s3;
	s0 =	sld [smem:$0x3FAC]  }
0x30: {  	s3 =	sld [smem:$0x3FAF]  }
0x31: {  	[smem:$0x3FB8] =	sst s10  }
0x32: {  	s10 =	sld [smem:$0x3FB6];
	_ =	sdelay $0x3  }
0x33: {  	p0 =	seq.s32 s10, $0x1;
	s10 =	sld [smem:$0x3FB8];
	_ =	sdelay $0x3  }
0x34: {  	[smem:$0x3FB8] =	sst s10  }
0x35: {  	s10 =	sld [smem:$0x3FB7];
	_ =	sdelay $0x3  }
0x36: {  	p1 =	seq.s32 s10, $0x1;
	s10 =	sld [smem:$0x3FB8];
	_ =	sdelay $0x3  }
0x37: {  	[smem:$0x3FB8] =	sst s10  }
0x38: {  	s10 =	sld [smem:$0x3FB9]  }
0x39: {  	_ = 	snop;
	(pc) =	sbr.ind lr, $3  }
0x3a: {  	_ = 	snop  }
0x3b: {  	_ = 	snop  }
0x3c: {  	p2 =	seq.s32 s10, $0x1;
	s10 =	sld [smem:$0x3FB8]  }
0x3d: {  	_ =	shalt  }
0x3e: {  	_ =	shalt  }
0x3f: {  	_ =	shalt  }
0x40: {  	_ =	shalt  }
0x41: {  	_ =	shalt  }
0x42: {  	_ =	shalt  }
0x43: {  	_ =	shalt  }
0x44: {  	_ =	shalt  }
0x45: {  	_ =	shalt  }
0x46: {  	_ =	shalt  }
0x47: {  	_ =	shalt  }
0x48: {  	_ =	shalt  }
0x49: {  	_ =	shalt  }
0x4a: {  	_ =	shalt  }
0x4b: {  	_ =	shalt  }
0x4c: {  	_ =	shalt  }
0x4d: {  	_ =	shalt  }
0x4e: {  	_ =	shalt  }
0x4f: {  	_ =	shalt  }
0x50: {  	_ =	shalt  }
0x51: {  	_ =	shalt  }
0x52: {  	_ =	shalt  }
0x53: {  	_ =	shalt  }
0x54: {  	_ =	shalt  }
0x55: {  	_ =	shalt  }
0x56: {  	_ =	shalt  }
0x57: {  	_ =	shalt  }
0x58: {  	_ =	shalt  }
0x59: {  	_ =	shalt  }
0x5a: {  	_ =	shalt  }
0x5b: {  	_ =	shalt  }
0x5c: {  	_ =	shalt  }
0x5d: {  	_ =	shalt  }
0x5e: {  	_ =	shalt  }
0x5f: {  	_ =	shalt  }
0x60: {  	_ =	shalt  }
0x61: {  	_ =	shalt  }
0x62: {  	_ =	shalt  }
0x63: {  	_ =	shalt  }
0x64: {  	_ =	shalt  }
0x65: {  	_ =	shalt  }
0x66: {  	_ =	shalt  }
0x67: {  	_ =	shalt  }
0x68: {  	_ =	shalt  }
0x69: {  	_ =	shalt  }
0x6a: {  	_ =	shalt  }
0x6b: {  	_ =	shalt  }
0x6c: {  	_ =	shalt  }
0x6d: {  	_ =	shalt  }
0x6e: {  	_ =	shalt  }
0x6f: {  	_ =	shalt  }
0x70: {  	_ =	shalt  }
0x71: {  	_ =	shalt  }
0x72: {  	_ =	shalt  }
0x73: {  	_ =	shalt  }
0x74: {  	_ =	shalt  }
0x75: {  	_ =	shalt  }
0x76: {  	_ =	shalt  }
0x77: {  	_ =	shalt  }
0x78: {  	_ =	shalt  }
0x79: {  	_ =	shalt  }
0x7a: {  	_ =	shalt  }
0x7b: {  	_ =	shalt  }
0x7c: {  	_ =	shalt  }
0x7d: {  	_ =	shalt  }
0x7e: {  	_ =	shalt  }
0x7f: {  	_ =	shalt  }
0x80: {  	_ =	shalt  }
0x81: {  	_ =	shalt  }
0x82: {  	_ =	shalt  }
0x83: {  	_ =	shalt  }
0x84: {  	_ =	shalt  }
0x85: {  	_ =	shalt  }
0x86: {  	_ =	shalt  }
0x87: {  	_ =	shalt  }
.Lfunc_end0:
.L_simem_size_0:
called_computation_lowered:
.L_overlay_start_0:
0x88: {  	s2 =	sld [smem:$0x3FD9]  }
0x89: {  	s3 =	sld [smem:$0x3FFE];
	_ =	sdelay $0x1  }
0x8a: {  	s1 =	srdreg.scid  }
0x8b: {  	s0 =	sand.u32 $0x1, s1  }
0x8c: {  	s16 =	sshll.u32 s0, $0xA;
	s2 =	sadd.s32 s3, s2  }
0x8d: {  	s2 =	sadd.s32 s2, s16  }
0x8e: {  	[smem:$0x3FC4] =	sst s2  }
0x8f: {  	_ = 	snop  }
0x90: {  	(tm) =	ssettm $0x1  }
0x91: {  	s17 =	sld [smem:$0x3FFB];
	_ =	sdelay $0x3  }
0x92: {  	_ =	strace s17  }
0x93: {  	s2 =	sld [smem:$0x3FFC];
	_ =	sdelay $0x3  }
0x94: {  	_ =	strace s2  }
0x95: {  	s2 =	sld [smem:$0x3FFD];
	_ =	sdelay $0x3  }
0x96: {  	_ =	strace s2  }
0x97: {  	_ =	strace $0x8FFFFFFF  }
0x98: {  	s18 =	sld [smem:$0x3FDB];
	_ =	sdelay $0x1  }
0x99: {  	s19 =	simm.s32 $_scs_section_size  }
0x9a: {  	s4 =	simm.s32 $_size__tile_overlayer_lowered;
	s5 =	simm.s32 $_tile_overlayer_lowered  }
0x9b: {  	s22 =	simm.s32 $0x1BFF;
	s21 =	sshll.u32 s5, $0x1;
	s2 =	sadd.s32 s19, s18  }
0x9c: {  	s6 =	simm.s32 $0x0;
	s20 =	sshll.u32 s4, $0x1;
	s4 =	sadd.s32 s21, s2  }
0x9d: {  	[timem:s6], [sflag:s22] =	dma.local [hbm:s4], s20  }
0x9e: {  	_ =	swait.ge [sflag:s22], s20  }
0x9f: {  	s3 =	ssub.s32 $0x0, s20;
	[sflag:s22] =	ssyncset.done $0x0  }
0xa0: {  	[sflag:s22] =	ssyncadd.s32 s3;
	_ =	sdelay $0x1  }
0xa1: {  	s23 =	simm.s32 $0x1B8B  }
0xa2: {  	_ =	swait.ge [sflag:s23], $0x1  }
0xa3: {  	[sflag:s23] =	ssyncset.done $0x0  }
0xa4: {  	s25 =	simm.s32 $0x1B8E;
	s24 =	sld [smem:$0x3FFE];
	[sflag:s23] =	ssyncadd.s32 $0xFFFFFFFF  }
0xa5: {  	s26 =	simm.s32 $execute0_lowered;
	[smem:$0x3FD2] =	sst s25  }
0xa6: {  	s4 =	sshll.u32 s26, $0x1;
	_ =	strace $0x80000046;
	[dreg:$0x1] =	wrdreg $0xFFFFFFFF  }
0xa7: {  	s28 =	simm.s32 $_size_execute0_lowered;
	s2 =	sadd.s32 s2, s4;
	[dreg:$0x0] =	wrdreg $0x0  }
0xa8: {  	s4 =	sshll.u32 s28, $0x1;
	[dreg:$0x2] =	wrdreg s2  }
0xa9: {  	[dreg:$0x3] =	wrdreg s4  }
0xaa: {  	[dreg:$0x4] =	wrdreg $0xC0  }
0xab: {  	_ =	task [dreg:s6], $0x5FFFF  }
0xac: {  	[dreg:$0x1] =	wrdreg $0xFFFFFFFF  }
0xad: {  	[dreg:$0x0] =	wrdreg $0x60  }
0xae: {  	[dreg:$0x2] =	wrdreg s24  }
0xaf: {  	[dreg:$0x3] =	wrdreg $0x9  }
0xb0: {  	_ =	task.clear_ibuf [dreg:s6], $0x4FFFF;
	_ =	strace $0x90000046  }
0xb1: {  	s29 =	simm.s32 $0x9;
	_ =	strace $0x80000048  }
0xb2: {  	_ =	swait.ge [sflag:s29], $0x1  }
0xb3: {  	[sflag:s29] =	ssyncadd.s32 $0xFFFFFFFF  }
0xb4: {  	_ =	strace $0x90000048  }
0xb5: {  	_ =	sfence  }
0xb6: {  	s30 =	sld [smem:$0x0];
	_ =	sdelay $0x2  }
0xb7: {  	s31 =	sshll.u32 s1, $0xD;
	s1 =	sshrl.u32 s1, $0x2  }
0xb8: {  	s3 =	sand.u32 $0x4000, s31;
	s1 =	sadd.s32 s1, s30  }
0xb9: {  	s0 =	sor.u32 s3, s0;
	s1 =	sshll.u32 s1, $0x11  }
0xba: {  	s0 =	sor.u32 s1, s0  }
0xbb: {  	s0 =	sadd.s32 $0x8F2B, s0  }
0xbc: {  	[sflag:s0] =	ssyncadd.remote.s32 $0x1  }
0xbd: {  	_ =	sfence.sel $0xFFFF  }
0xbe: {  	[dreg:$0x0] =	wrdreg $0xFFFFFFFF;
	(pc) =	sbr.abs _section_cstart, $3  }
0xbf: {  	[dreg:$0x1] =	wrdreg $0xFFFFFFFF  }
0xc0: {  	_ =	task.clear_ibuf [dreg:s6], $0x2FFFF;
	_ =	strace $0x9FFFFFFF  }
0xc1: {  	(tm) =	ssettm $0x7FFFFFFF  }
tec
execute0_lowered:
.L_overlay_start_1:
0x0: {  	(tag) =	ssettag $0x1  }
0x1: {  	s2 =	stileid.u32  }
0x2: {  	s1 =	rddreg [dreg:$0x0];
	s3 =	sshll.u32 s2, $0x1;
	s2 =	simm.s32 $0x0  }
0x3: {  	s5 =	sadd.s32 $0x800, s1;
	[smem:$0x7FF] =	sst s2  }
0x4: {  	s26 =	sadd.s32 $0x900, s1;
	_ =	strace $0x80000047;
	[dreg:$0x2] =	wrdreg s5  }
0x5: {  	s6 =	sadd.s32 $0xB00, s1;
	[dreg:$0x4] =	wrdreg s26  }
0x6: {  	s7 =	sadd.s32 $0xC00, s1;
	[dreg:$0x6] =	wrdreg s6  }
0x7: {  	s8 =	sadd.s32 $0xD00, s1;
	[dreg:$0x7] =	wrdreg s7  }
0x8: {  	s9 =	sadd.s32 $0xE00, s1;
	[dreg:$0x8] =	wrdreg s8  }
0x9: {  	s10 =	sadd.s32 $0xF00, s1;
	[dreg:$0x9] =	wrdreg s9  }
0xa: {  	s11 =	sadd.s32 $0x1000, s1;
	[dreg:$0xa] =	wrdreg s10  }
0xb: {  	s0 =	srdreg.scid;
	s12 =	sadd.s32 $0x1100, s1;
	[dreg:$0xb] =	wrdreg s11  }
0xc: {  	s31 =	simm.s32 $0x1080;
	s13 =	sadd.s32 $0x1200, s1;
	[dreg:$0xc] =	wrdreg s12  }
0xd: {  	s30 =	simm.s32 $0x1880;
	s14 =	sadd.s32 $0x1300, s1;
	[dreg:$0xd] =	wrdreg s13  }
0xe: {  	s29 =	simm.s32 $0x2080;
	s15 =	sadd.s32 $0x1400, s1;
	[dreg:$0xe] =	wrdreg s14  }
0xf: {  	s28 =	simm.s32 $0x2880;
	s16 =	sadd.s32 $0x1500, s1;
	[dreg:$0xf] =	wrdreg s15  }
0x10: {  	p0 =	por $0x0, $0x0;
	s17 =	sadd.s32 $0x1600, s1;
	[dreg:$0x10] =	wrdreg s16  }
0x11: {  	s0 =	sand.u32 $0x1, s0;
	s18 =	sadd.s32 $0x1700, s1;
	[dreg:$0x11] =	wrdreg s17  }
0x12: {  	s19 =	sadd.s32 $0x1800, s1;
	s20 =	sadd.s32 $0x1900, s1;
	[dreg:$0x12] =	wrdreg s18  }
0x13: {  	s21 =	sadd.s32 $0x1A00, s1;
	s22 =	sadd.s32 $0x1B00, s1;
	[dreg:$0x13] =	wrdreg s19  }
0x14: {  	s23 =	sadd.s32 $0x1C00, s1;
	s24 =	sadd.s32 $0x1D00, s1;
	[dreg:$0x14] =	wrdreg s20  }
0x15: {  	s3 =	sor.u32 s0, s3;
	s0 =	ssub.s32 $0x2, s0;
	[dreg:$0x15] =	wrdreg s21  }
0x16: {  	s4 =	sshll.u32 s3, $0x4;
	s5 =	sadd.s32 $0xA00, s1;
	[dreg:$0x16] =	wrdreg s22  }
0x17: {  	s3 =	smul.u32 $0x1800, s3;
	[dreg:$0x17] =	wrdreg s23;
	s25 =	sshrl.u32 s0, $0x1  }
0x18: {  	[dreg:$0x18] =	wrdreg s24;
	s26 =	sadd.s32 $0x1E00, s1;
	s6 =	simm.s32 $0x80  }
0x19: {  	s10 =	simm.s32 $0x880;
	s24 =	simm.s32 $0x4080;
	s23 =	simm.s32 $0x4880  }
0x1a: {  	s22 =	simm.s32 $0x5080;
	s21 =	simm.s32 $0x5880;
	s20 =	simm.s32 $0x6080  }
0x1b: {  	s18 =	simm.s32 $0x6880;
	s17 =	simm.s32 $0x7080;
	s13 =	simm.s32 $0x7880  }
0x1c: {  	s8 =	simm.s32 $0x9080;
	s14 =	simm.s32 $0x9880;
	s0 =	ssub.s32 s0, s25  }
0x1d: {  	s16 =	simm.s32 $0xA080;
	s11 =	simm.s32 $0xA880;
	s0 =	smax.u32 s0, $0x1  }
0x1e: {  	s12 =	simm.s32 $0xB080;
	s19 =	simm.s32 $0xB880;
	p1 =	sne.s32 s0, $0x1  }
.Ltmp0:
0x1f: {  	s15 =	simm.s32 $0x1;
	[dreg:$0x5] =	wrdreg s5;
	(pc) =	sbr.rel @!p1 .LBB2_1-.Ltmp0, $4  }
0x20: {  	s4 =	sadd.s32 s4, s1;
	[dreg:$0x19] =	wrdreg s26;
	s5 =	sadd.s32 $0x1F00, s1  }
0x21: {  	v0 =	vlaneseq.u32;
	s26 =	simm.s32 $0x3080;
	s4 =	sadd.s32 $0x14000, s4;
	s3 =	sadd.s32 s3, s1  }
0x22: {  	v1 =	vshrl.u32 v0, $0x3;
	s25 =	simm.s32 $0x3880;
	[dreg:$0x3] =	wrdreg s4;
	s4 =	sadd.s32 $0x14200, s3  }
0x23: {  	vm0 =	vmmov $0xffff;
	v0 =	vand.u32 $0x7, v0;
	v1 =	vmul.u32 $0x8, v1;
	s3 =	simm.s32 $0x2;
	s9 =	sadd.s32 $0xFFFFFFFF, s0;
	s0 =	rddreg [dreg:$0x3]  }
0x24: {  	[tilespmem:s2], [sflag:$0x2] =	stream.linear.gather [hbm4b:s0+s2], $0x8, $0x38;
	[tilespmem:$0xC080] =	vst v63  }
0x25: {  	_ =	swait.ge [sflag:s3], $0x8  }
0x26: {  	[sflag:s3] =	ssyncset.done $0x0  }
0x27: {  	[sflag:s3] =	ssyncadd.s32 $0xFFFFFFF8  }
0x28: {  	v2 =	vld.msk [tilespmem:$0x0], $0xff;
	_ =	sdelay $0x4  }
0x29: {  	v3 =	vshrl.u32 v2, $0x3  }
0x2a: {  	v3 =	vmul.u32 $0x180, v3  }
0x2b: {  	v2 =	vand.u32 $0x7, v2  }
0x2c: {  	v2 =	vor.u32 v2, v3  }
0x2d: {  	v2 =	vperm.xlane v2, v0;
	_ =	sdelay $0x1  }
0x2e: {  	v2 =	vadd.s32 v1, v2;
	_ =	sdelay $0x3  }
0x2f: {  	s7 =	rddreg [dreg:$0x2]  }
0x30: {  	[tilespmem:s6], [sflag:$0x1] =	stream.indirect_vreg.gather [hbm4b:s7+s2], $0x80, v2, vm0, $0xb8;
	[tilespmem:$0xC080] =	vst v63  }
0x31: {  	s1 =	rddreg [dreg:$0x4]  }
0x32: {  	[tilespmem:s10], [sflag:$0x1] =	stream.indirect_vreg.gather [hbm4b:s1+s2], $0x80, v2, vm0, $0xb8;
	[tilespmem:$0xC080] =	vst v63  }
0x33: {  	s0 =	rddreg [dreg:$0x5]  }
0x34: {  	[tilespmem:s31], [sflag:$0x1] =	stream.indirect_vreg.gather [hbm4b:s0+s2], $0x80, v2, vm0, $0xb8;
	[tilespmem:$0xC080] =	vst v63  }
0x35: {  	s7 =	rddreg [dreg:$0x6]  }
0x36: {  	[tilespmem:s30], [sflag:$0x1] =	stream.indirect_vreg.gather [hbm4b:s7+s2], $0x80, v2, vm0, $0xb8;
	[tilespmem:$0xC080] =	vst v63  }
0x37: {  	s0 =	rddreg [dreg:$0x7]  }
0x38: {  	[tilespmem:s29], [sflag:$0x1] =	stream.indirect_vreg.gather [hbm4b:s0+s2], $0x80, v2, vm0, $0xb8;
	[tilespmem:$0xC080] =	vst v63  }
0x39: {  	s7 =	rddreg [dreg:$0x8]  }
0x3a: {  	[tilespmem:s28], [sflag:$0x1] =	stream.indirect_vreg.gather [hbm4b:s7+s2], $0x80, v2, vm0, $0xb8;
	[tilespmem:$0xC080] =	vst v63  }
0x3b: {  	s0 =	rddreg [dreg:$0x9]  }
0x3c: {  	[tilespmem:s26], [sflag:$0x1] =	stream.indirect_vreg.gather [hbm4b:s0+s2], $0x80, v2, vm0, $0xb8;
	[tilespmem:$0xC080] =	vst v63  }
0x3d: {  	s7 =	rddreg [dreg:$0xa]  }
0x3e: {  	[tilespmem:s25], [sflag:$0x1] =	stream.indirect_vreg.gather [hbm4b:s7+s2], $0x80, v2, vm0, $0xb8;
	[tilespmem:$0xC080] =	vst v63  }
0x3f: {  	s0 =	rddreg [dreg:$0xb]  }
0x40: {  	[tilespmem:s24], [sflag:$0x1] =	stream.indirect_vreg.gather [hbm4b:s0+s2], $0x80, v2, vm0, $0xb8;
	[tilespmem:$0xC080] =	vst v63  }
0x41: {  	s7 =	rddreg [dreg:$0xc]  }
0x42: {  	[tilespmem:s23], [sflag:$0x1] =	stream.indirect_vreg.gather [hbm4b:s7+s2], $0x80, v2, vm0, $0xb8;
	[tilespmem:$0xC080] =	vst v63  }
0x43: {  	s0 =	rddreg [dreg:$0xd]  }
0x44: {  	[tilespmem:s22], [sflag:$0x1] =	stream.indirect_vreg.gather [hbm4b:s0+s2], $0x80, v2, vm0, $0xb8;
	[tilespmem:$0xC080] =	vst v63  }
0x45: {  	s7 =	rddreg [dreg:$0xe]  }
0x46: {  	[tilespmem:s21], [sflag:$0x1] =	stream.indirect_vreg.gather [hbm4b:s7+s2], $0x80, v2, vm0, $0xb8;
	[tilespmem:$0xC080] =	vst v63  }
0x47: {  	s0 =	rddreg [dreg:$0xf]  }
0x48: {  	[tilespmem:s20], [sflag:$0x1] =	stream.indirect_vreg.gather [hbm4b:s0+s2], $0x80, v2, vm0, $0xb8;
	[tilespmem:$0xC080] =	vst v63  }
0x49: {  	s7 =	rddreg [dreg:$0x10]  }
0x4a: {  	[tilespmem:s18], [sflag:$0x1] =	stream.indirect_vreg.gather [hbm4b:s7+s2], $0x80, v2, vm0, $0xb8;
	[tilespmem:$0xC080] =	vst v63  }
0x4b: {  	s0 =	rddreg [dreg:$0x11]  }
0x4c: {  	[tilespmem:s17], [sflag:$0x1] =	stream.indirect_vreg.gather [hbm4b:s0+s2], $0x80, v2, vm0, $0xb8;
	[tilespmem:$0xC080] =	vst v63  }
0x4d: {  	s7 =	rddreg [dreg:$0x12]  }
0x4e: {  	[tilespmem:s13], [sflag:$0x1] =	stream.indirect_vreg.gather [hbm4b:s7+s2], $0x80, v2, vm0, $0xb8;
	[tilespmem:$0xC080] =	vst v63  }
0x4f: {  	s0 =	rddreg [dreg:$0x13];
	s7 =	simm.s32 $0x8080  }
0x50: {  	[tilespmem:s7], [sflag:$0x1] =	stream.indirect_vreg.gather [hbm4b:s0+s2], $0x80, v2, vm0, $0xb8;
	[tilespmem:$0xC080] =	vst v63  }
0x51: {  	s1 =	rddreg [dreg:$0x14];
	s7 =	simm.s32 $0x8880  }
0x52: {  	[tilespmem:s7], [sflag:$0x1] =	stream.indirect_vreg.gather [hbm4b:s1+s2], $0x80, v2, vm0, $0xb8;
	[tilespmem:$0xC080] =	vst v63  }
0x53: {  	s0 =	rddreg [dreg:$0x15]  }
0x54: {  	[tilespmem:s8], [sflag:$0x1] =	stream.indirect_vreg.gather [hbm4b:s0+s2], $0x80, v2, vm0, $0xb8;
	[tilespmem:$0xC080] =	vst v63  }
0x55: {  	s1 =	rddreg [dreg:$0x16]  }
0x56: {  	[tilespmem:s14], [sflag:$0x1] =	stream.indirect_vreg.gather [hbm4b:s1+s2], $0x80, v2, vm0, $0xb8;
	[tilespmem:$0xC080] =	vst v63  }
0x57: {  	s7 =	rddreg [dreg:$0x17]  }
0x58: {  	[tilespmem:s16], [sflag:$0x1] =	stream.indirect_vreg.gather [hbm4b:s7+s2], $0x80, v2, vm0, $0xb8;
	[tilespmem:$0xC080] =	vst v63  }
0x59: {  	s1 =	rddreg [dreg:$0x18]  }
0x5a: {  	[tilespmem:s11], [sflag:$0x1] =	stream.indirect_vreg.gather [hbm4b:s1+s2], $0x80, v2, vm0, $0xb8;
	[tilespmem:$0xC080] =	vst v63  }
0x5b: {  	s7 =	rddreg [dreg:$0x19]  }
0x5c: {  	[tilespmem:s12], [sflag:$0x1] =	stream.indirect_vreg.gather [hbm4b:s7+s2], $0x80, v2, vm0, $0xb8;
	[tilespmem:$0xC080] =	vst v63  }
0x5d: {  	_ = 	snop  }
0x5e: {  	[tilespmem:s19], [sflag:$0x1] =	stream.indirect_vreg.gather [hbm4b:s5+s2], $0x80, v2, vm0, $0xb8;
	[tilespmem:$0xC080] =	vst v63  }
0x5f: {  	p1 =	sne.s32 s9, $0x1;
	_ =	swait.ge [sflag:s15], $0xC000  }
.Ltmp1:
0x60: {  	[sflag:s15] =	ssyncset.done $0x0;
	(pc) =	sbr.rel @!p1 .LBB2_3-.Ltmp1, $4  }
0x61: {  	[sflag:s15] =	ssyncadd.s32 $0xFFFF4000  }
0x62: {  	[hbm4b:s4+s2] =	stream.linear.scatter [tilespmem:s6], [sflag:$0x2], $0xC000, $0x38;
	[tilespmem:$0xC080] =	vst v63  }
0x63: {  	p0 =	por $0x1, $0x1;
	_ =	swait.ge [sflag:s3], $0xC000  }
0x64: {  	s1 =	sadd.s32 $0xFFFFFFFF, s9;
	s0 =	rddreg [dreg:$0x3];
	[sflag:s3] =	ssyncset.done $0x0  }
.LBB2_4:
0x65: {  	[sflag:s3] =	ssyncadd.s32 $0xFFFF4000  }
0x66: {  	[tilespmem:s2], [sflag:$0x2] =	stream.linear.gather [hbm4b:s0+s2], $0x8, $0x38;
	[tilespmem:$0xC080] =	vst v63  }
0x67: {  	_ =	swait.ge [sflag:s3], $0x8  }
0x68: {  	[sflag:s3] =	ssyncset.done $0x0  }
0x69: {  	[sflag:s3] =	ssyncadd.s32 $0xFFFFFFF8  }
0x6a: {  	v2 =	vld.msk [tilespmem:$0x0], $0xff;
	_ =	sdelay $0x4  }
0x6b: {  	v3 =	vshrl.u32 v2, $0x3  }
0x6c: {  	v3 =	vmul.u32 $0x180, v3  }
0x6d: {  	v2 =	vand.u32 $0x7, v2  }
0x6e: {  	v2 =	vor.u32 v2, v3  }
0x6f: {  	v2 =	vperm.xlane v2, v0;
	_ =	sdelay $0x1  }
0x70: {  	v2 =	vadd.s32 v1, v2;
	_ =	sdelay $0x3  }
0x71: {  	s9 =	rddreg [dreg:$0x2]  }
0x72: {  	[tilespmem:s6], [sflag:$0x1] =	stream.indirect_vreg.gather [hbm4b:s9+s2], $0x80, v2, vm0, $0xb8;
	[tilespmem:$0xC080] =	vst v63  }
0x73: {  	s7 =	rddreg [dreg:$0x4]  }
0x74: {  	[tilespmem:s10], [sflag:$0x1] =	stream.indirect_vreg.gather [hbm4b:s7+s2], $0x80, v2, vm0, $0xb8;
	[tilespmem:$0xC080] =	vst v63  }
0x75: {  	s0 =	rddreg [dreg:$0x5]  }
0x76: {  	[tilespmem:s31], [sflag:$0x1] =	stream.indirect_vreg.gather [hbm4b:s0+s2], $0x80, v2, vm0, $0xb8;
	[tilespmem:$0xC080] =	vst v63  }
0x77: {  	s9 =	rddreg [dreg:$0x6]  }
0x78: {  	[tilespmem:s30], [sflag:$0x1] =	stream.indirect_vreg.gather [hbm4b:s9+s2], $0x80, v2, vm0, $0xb8;
	[tilespmem:$0xC080] =	vst v63  }
0x79: {  	s0 =	rddreg [dreg:$0x7]  }
0x7a: {  	[tilespmem:s29], [sflag:$0x1] =	stream.indirect_vreg.gather [hbm4b:s0+s2], $0x80, v2, vm0, $0xb8;
	[tilespmem:$0xC080] =	vst v63  }
0x7b: {  	s9 =	rddreg [dreg:$0x8]  }
0x7c: {  	[tilespmem:s28], [sflag:$0x1] =	stream.indirect_vreg.gather [hbm4b:s9+s2], $0x80, v2, vm0, $0xb8;
	[tilespmem:$0xC080] =	vst v63  }
0x7d: {  	s0 =	rddreg [dreg:$0x9]  }
0x7e: {  	[tilespmem:s26], [sflag:$0x1] =	stream.indirect_vreg.gather [hbm4b:s0+s2], $0x80, v2, vm0, $0xb8;
	[tilespmem:$0xC080] =	vst v63  }
0x7f: {  	s9 =	rddreg [dreg:$0xa]  }
0x80: {  	[tilespmem:s25], [sflag:$0x1] =	stream.indirect_vreg.gather [hbm4b:s9+s2], $0x80, v2, vm0, $0xb8;
	[tilespmem:$0xC080] =	vst v63  }
0x81: {  	s0 =	rddreg [dreg:$0xb]  }
0x82: {  	[tilespmem:s24], [sflag:$0x1] =	stream.indirect_vreg.gather [hbm4b:s0+s2], $0x80, v2, vm0, $0xb8;
	[tilespmem:$0xC080] =	vst v63  }
0x83: {  	s9 =	rddreg [dreg:$0xc]  }
0x84: {  	[tilespmem:s23], [sflag:$0x1] =	stream.indirect_vreg.gather [hbm4b:s9+s2], $0x80, v2, vm0, $0xb8;
	[tilespmem:$0xC080] =	vst v63  }
0x85: {  	s0 =	rddreg [dreg:$0xd]  }
0x86: {  	[tilespmem:s22], [sflag:$0x1] =	stream.indirect_vreg.gather [hbm4b:s0+s2], $0x80, v2, vm0, $0xb8;
	[tilespmem:$0xC080] =	vst v63  }
0x87: {  	s9 =	rddreg [dreg:$0xe]  }
0x88: {  	[tilespmem:s21], [sflag:$0x1] =	stream.indirect_vreg.gather [hbm4b:s9+s2], $0x80, v2, vm0, $0xb8;
	[tilespmem:$0xC080] =	vst v63  }
0x89: {  	s0 =	rddreg [dreg:$0xf]  }
0x8a: {  	[tilespmem:s20], [sflag:$0x1] =	stream.indirect_vreg.gather [hbm4b:s0+s2], $0x80, v2, vm0, $0xb8;
	[tilespmem:$0xC080] =	vst v63  }
0x8b: {  	s9 =	rddreg [dreg:$0x10]  }
0x8c: {  	[tilespmem:s18], [sflag:$0x1] =	stream.indirect_vreg.gather [hbm4b:s9+s2], $0x80, v2, vm0, $0xb8;
	[tilespmem:$0xC080] =	vst v63  }
0x8d: {  	s0 =	rddreg [dreg:$0x11]  }
0x8e: {  	[tilespmem:s17], [sflag:$0x1] =	stream.indirect_vreg.gather [hbm4b:s0+s2], $0x80, v2, vm0, $0xb8;
	[tilespmem:$0xC080] =	vst v63  }
0x8f: {  	s9 =	rddreg [dreg:$0x12]  }
0x90: {  	[tilespmem:s13], [sflag:$0x1] =	stream.indirect_vreg.gather [hbm4b:s9+s2], $0x80, v2, vm0, $0xb8;
	[tilespmem:$0xC080] =	vst v63  }
0x91: {  	s0 =	rddreg [dreg:$0x13];
	s9 =	simm.s32 $0x8080  }
0x92: {  	[tilespmem:s9], [sflag:$0x1] =	stream.indirect_vreg.gather [hbm4b:s0+s2], $0x80, v2, vm0, $0xb8;
	[tilespmem:$0xC080] =	vst v63  }
0x93: {  	s7 =	rddreg [dreg:$0x14];
	s9 =	simm.s32 $0x8880  }
0x94: {  	[tilespmem:s9], [sflag:$0x1] =	stream.indirect_vreg.gather [hbm4b:s7+s2], $0x80, v2, vm0, $0xb8;
	[tilespmem:$0xC080] =	vst v63  }
0x95: {  	s0 =	rddreg [dreg:$0x15]  }
0x96: {  	[tilespmem:s8], [sflag:$0x1] =	stream.indirect_vreg.gather [hbm4b:s0+s2], $0x80, v2, vm0, $0xb8;
	[tilespmem:$0xC080] =	vst v63  }
0x97: {  	s7 =	rddreg [dreg:$0x16]  }
0x98: {  	[tilespmem:s14], [sflag:$0x1] =	stream.indirect_vreg.gather [hbm4b:s7+s2], $0x80, v2, vm0, $0xb8;
	[tilespmem:$0xC080] =	vst v63  }
0x99: {  	s9 =	rddreg [dreg:$0x17]  }
0x9a: {  	[tilespmem:s16], [sflag:$0x1] =	stream.indirect_vreg.gather [hbm4b:s9+s2], $0x80, v2, vm0, $0xb8;
	[tilespmem:$0xC080] =	vst v63  }
0x9b: {  	s7 =	rddreg [dreg:$0x18]  }
0x9c: {  	[tilespmem:s11], [sflag:$0x1] =	stream.indirect_vreg.gather [hbm4b:s7+s2], $0x80, v2, vm0, $0xb8;
	[tilespmem:$0xC080] =	vst v63  }
0x9d: {  	s9 =	rddreg [dreg:$0x19]  }
0x9e: {  	[tilespmem:s12], [sflag:$0x1] =	stream.indirect_vreg.gather [hbm4b:s9+s2], $0x80, v2, vm0, $0xb8;
	[tilespmem:$0xC080] =	vst v63  }
0x9f: {  	_ = 	snop  }
0xa0: {  	[tilespmem:s19], [sflag:$0x1] =	stream.indirect_vreg.gather [hbm4b:s5+s2], $0x80, v2, vm0, $0xb8;
	[tilespmem:$0xC080] =	vst v63  }
0xa1: {  	p1 =	sne.s32 s1, $0x1;
	_ =	swait.ge [sflag:s15], $0xC000  }
.Ltmp2:
0xa2: {  	[sflag:s15] =	ssyncset.done $0x0;
	(pc) =	sbr.rel @p1 .LBB2_4-.Ltmp2, $4  }
0xa3: {  	[sflag:s15] =	ssyncadd.s32 $0xFFFF4000  }
0xa4: {  	[hbm4b:s4+s2] =	stream.linear.scatter [tilespmem:s6], [sflag:$0x2], $0xC000, $0x38;
	[tilespmem:$0xC080] =	vst v63  }
0xa5: {  	_ =	swait.ge [sflag:s3], $0xC000  }
0xa6: {  	s1 =	sadd.s32 $0xFFFFFFFF, s1;
	s0 =	rddreg [dreg:$0x3];
	[sflag:s3] =	ssyncset.done $0x0  }
0xa7: {  	s7 =	simm.s32 $0x880;
	s31 =	simm.s32 $0x1080  }
0xa8: {  	s30 =	simm.s32 $0x1880;
	s29 =	simm.s32 $0x2080;
	s28 =	simm.s32 $0x2880  }
0xa9: {  	s26 =	simm.s32 $0x3080;
	s25 =	simm.s32 $0x3880;
	s24 =	simm.s32 $0x4080  }
0xaa: {  	s23 =	simm.s32 $0x4880;
	s22 =	simm.s32 $0x5080;
	s21 =	simm.s32 $0x5880  }
0xab: {  	s20 =	simm.s32 $0x6080;
	s18 =	simm.s32 $0x6880;
	s17 =	simm.s32 $0x7080  }
0xac: {  	s16 =	simm.s32 $0xA080;
	s14 =	simm.s32 $0x9880;
	s13 =	simm.s32 $0x7880  }
0xad: {  	s12 =	simm.s32 $0xB080;
	s11 =	simm.s32 $0xA880;
	s10 =	simm.s32 $0x8080  }
0xae: {  	s9 =	simm.s32 $0x8880;
	s8 =	simm.s32 $0x9080;
	s19 =	stileid.u32  }
.LBB2_6:
0xaf: {  	[sflag:s3] =	ssyncadd.s32 @p0 $0xFFFF4000  }
0xb0: {  	[tilespmem:s2], [sflag:$0x2] =	stream.linear.gather [hbm4b:s0+s2], $0x8, $0x38;
	[tilespmem:$0xC080] =	vst v63  }
0xb1: {  	_ =	swait.ge [sflag:s3], $0x8  }
0xb2: {  	[sflag:s3] =	ssyncset.done $0x0  }
0xb3: {  	[sflag:s3] =	ssyncadd.s32 $0xFFFFFFF8  }
0xb4: {  	v2 =	vld.msk [tilespmem:$0x0], $0xff;
	_ =	sdelay $0x4  }
0xb5: {  	v3 =	vshrl.u32 v2, $0x3  }
0xb6: {  	v3 =	vmul.u32 $0x180, v3  }
0xb7: {  	v2 =	vand.u32 $0x7, v2  }
0xb8: {  	v2 =	vor.u32 v2, v3  }
0xb9: {  	v0 =	vperm.xlane v2, v0;
	_ =	sdelay $0x1  }
0xba: {  	v0 =	vadd.s32 v1, v0;
	_ =	sdelay $0x3  }
0xbb: {  	s0 =	rddreg [dreg:$0x2]  }
0xbc: {  	[tilespmem:s6], [sflag:$0x1] =	stream.indirect_vreg.gather [hbm4b:s0+s2], $0x80, v0, vm0, $0xb8;
	[tilespmem:$0xC080] =	vst v63  }
0xbd: {  	s1 =	rddreg [dreg:$0x4]  }
0xbe: {  	[tilespmem:s7], [sflag:$0x1] =	stream.indirect_vreg.gather [hbm4b:s1+s2], $0x80, v0, vm0, $0xb8;
	[tilespmem:$0xC080] =	vst v63  }
0xbf: {  	s0 =	rddreg [dreg:$0x5]  }
0xc0: {  	[tilespmem:s31], [sflag:$0x1] =	stream.indirect_vreg.gather [hbm4b:s0+s2], $0x80, v0, vm0, $0xb8;
	[tilespmem:$0xC080] =	vst v63  }
0xc1: {  	s1 =	rddreg [dreg:$0x6]  }
0xc2: {  	[tilespmem:s30], [sflag:$0x1] =	stream.indirect_vreg.gather [hbm4b:s1+s2], $0x80, v0, vm0, $0xb8;
	[tilespmem:$0xC080] =	vst v63  }
0xc3: {  	s7 =	rddreg [dreg:$0x7]  }
0xc4: {  	[tilespmem:s29], [sflag:$0x1] =	stream.indirect_vreg.gather [hbm4b:s7+s2], $0x80, v0, vm0, $0xb8;
	[tilespmem:$0xC080] =	vst v63  }
0xc5: {  	s30 =	rddreg [dreg:$0x8]  }
0xc6: {  	[tilespmem:s28], [sflag:$0x1] =	stream.indirect_vreg.gather [hbm4b:s30+s2], $0x80, v0, vm0, $0xb8;
	[tilespmem:$0xC080] =	vst v63  }
0xc7: {  	s31 =	rddreg [dreg:$0x9]  }
0xc8: {  	[tilespmem:s26], [sflag:$0x1] =	stream.indirect_vreg.gather [hbm4b:s31+s2], $0x80, v0, vm0, $0xb8;
	[tilespmem:$0xC080] =	vst v63  }
0xc9: {  	s7 =	rddreg [dreg:$0xa]  }
0xca: {  	[tilespmem:s25], [sflag:$0x1] =	stream.indirect_vreg.gather [hbm4b:s7+s2], $0x80, v0, vm0, $0xb8;
	[tilespmem:$0xC080] =	vst v63  }
0xcb: {  	s26 =	rddreg [dreg:$0xb]  }
0xcc: {  	[tilespmem:s24], [sflag:$0x1] =	stream.indirect_vreg.gather [hbm4b:s26+s2], $0x80, v0, vm0, $0xb8;
	[tilespmem:$0xC080] =	vst v63  }
0xcd: {  	s28 =	rddreg [dreg:$0xc]  }
0xce: {  	[tilespmem:s23], [sflag:$0x1] =	stream.indirect_vreg.gather [hbm4b:s28+s2], $0x80, v0, vm0, $0xb8;
	[tilespmem:$0xC080] =	vst v63  }
0xcf: {  	s29 =	rddreg [dreg:$0xd]  }
0xd0: {  	[tilespmem:s22], [sflag:$0x1] =	stream.indirect_vreg.gather [hbm4b:s29+s2], $0x80, v0, vm0, $0xb8;
	[tilespmem:$0xC080] =	vst v63  }
0xd1: {  	s30 =	rddreg [dreg:$0xe]  }
0xd2: {  	[tilespmem:s21], [sflag:$0x1] =	stream.indirect_vreg.gather [hbm4b:s30+s2], $0x80, v0, vm0, $0xb8;
	[tilespmem:$0xC080] =	vst v63  }
0xd3: {  	s31 =	rddreg [dreg:$0xf]  }
0xd4: {  	[tilespmem:s20], [sflag:$0x1] =	stream.indirect_vreg.gather [hbm4b:s31+s2], $0x80, v0, vm0, $0xb8;
	[tilespmem:$0xC080] =	vst v63  }
0xd5: {  	s7 =	rddreg [dreg:$0x10]  }
0xd6: {  	[tilespmem:s18], [sflag:$0x1] =	stream.indirect_vreg.gather [hbm4b:s7+s2], $0x80, v0, vm0, $0xb8;
	[tilespmem:$0xC080] =	vst v63  }
0xd7: {  	s21 =	rddreg [dreg:$0x11]  }
0xd8: {  	[tilespmem:s17], [sflag:$0x1] =	stream.indirect_vreg.gather [hbm4b:s21+s2], $0x80, v0, vm0, $0xb8;
	[tilespmem:$0xC080] =	vst v63  }
0xd9: {  	s22 =	rddreg [dreg:$0x12]  }
0xda: {  	[tilespmem:s13], [sflag:$0x1] =	stream.indirect_vreg.gather [hbm4b:s22+s2], $0x80, v0, vm0, $0xb8;
	[tilespmem:$0xC080] =	vst v63  }
0xdb: {  	s23 =	rddreg [dreg:$0x13]  }
0xdc: {  	[tilespmem:s10], [sflag:$0x1] =	stream.indirect_vreg.gather [hbm4b:s23+s2], $0x80, v0, vm0, $0xb8;
	[tilespmem:$0xC080] =	vst v63  }
0xdd: {  	s24 =	rddreg [dreg:$0x14]  }
0xde: {  	[tilespmem:s9], [sflag:$0x1] =	stream.indirect_vreg.gather [hbm4b:s24+s2], $0x80, v0, vm0, $0xb8;
	[tilespmem:$0xC080] =	vst v63  }
0xdf: {  	s25 =	rddreg [dreg:$0x15]  }
0xe0: {  	[tilespmem:s8], [sflag:$0x1] =	stream.indirect_vreg.gather [hbm4b:s25+s2], $0x80, v0, vm0, $0xb8;
	[tilespmem:$0xC080] =	vst v63  }
0xe1: {  	s26 =	rddreg [dreg:$0x16]  }
0xe2: {  	[tilespmem:s14], [sflag:$0x1] =	stream.indirect_vreg.gather [hbm4b:s26+s2], $0x80, v0, vm0, $0xb8;
	[tilespmem:$0xC080] =	vst v63  }
0xe3: {  	s28 =	rddreg [dreg:$0x17]  }
0xe4: {  	[tilespmem:s16], [sflag:$0x1] =	stream.indirect_vreg.gather [hbm4b:s28+s2], $0x80, v0, vm0, $0xb8;
	[tilespmem:$0xC080] =	vst v63  }
0xe5: {  	s29 =	rddreg [dreg:$0x18]  }
0xe6: {  	[tilespmem:s11], [sflag:$0x1] =	stream.indirect_vreg.gather [hbm4b:s29+s2], $0x80, v0, vm0, $0xb8;
	[tilespmem:$0xC080] =	vst v63  }
0xe7: {  	s30 =	rddreg [dreg:$0x19]  }
0xe8: {  	[tilespmem:s12], [sflag:$0x1] =	stream.indirect_vreg.gather [hbm4b:s30+s2], $0x80, v0, vm0, $0xb8;
	[tilespmem:$0xC080] =	vst v63  }
0xe9: {  	s31 =	simm.s32 $0xB880  }
0xea: {  	[tilespmem:s31], [sflag:$0x1] =	stream.indirect_vreg.gather [hbm4b:s5+s2], $0x80, v0, vm0, $0xb8;
	[tilespmem:$0xC080] =	vst v63  }
0xeb: {  	_ =	swait.ge [sflag:s15], $0xC000  }
0xec: {  	[sflag:s15] =	ssyncset.done $0x0  }
0xed: {  	[sflag:s15] =	ssyncadd.s32 $0xFFFF4000  }
0xee: {  	[hbm4b:s4+s2] =	stream.linear.scatter [tilespmem:s6], [sflag:$0x2], $0xC000, $0x38;
	[tilespmem:$0xC080] =	vst v63  }
0xef: {  	_ =	swait.ge [sflag:s3], $0xC000  }
0xf0: {  	[sflag:s3] =	ssyncset.done $0x0  }
0xf1: {  	[sflag:s3] =	ssyncadd.s32 $0xFFFF4000  }
0xf2: {  	_ =	sfence.sel $0x180000  }
0xf3: {  	[bflag:$0x0] =	sbarrier.arrive $0xFFFF  }
0xf4: {  	_ =	strace $0x90000047  }
0xf5: {  	[bflag:$0x2] =	sbarrier.arrive $0xFFFF  }
0xf6: {  	p0 =	sne.s32 s19, $0x0;
	s0 =	rddreg [dreg:$0x1]  }
0xf7: {  	s0 =	sadd.s32 @!p0 $0x100000, s0  }
0xf8: {  	[sflag:s0] =	ssyncadd.tile.s32 @!p0 $0x1;
	_ =	shalt  }
.LBB2_1:
0xf9: {  	s19 =	stileid.u32;
	s7 =	simm.s32 $0x880;
	s31 =	simm.s32 $0x1080  }
0xfa: {  	s30 =	simm.s32 $0x1880;
	s29 =	simm.s32 $0x2080;
	s28 =	simm.s32 $0x2880  }
0xfb: {  	s26 =	simm.s32 $0x3080;
	s25 =	simm.s32 $0x3880;
	s24 =	simm.s32 $0x4080  }
.Ltmp3:
0xfc: {  	s23 =	simm.s32 $0x4880;
	s22 =	simm.s32 $0x5080;
	(pc) =	sbr.rel .LBB2_6-.Ltmp3, $4  }
0xfd: {  	s21 =	simm.s32 $0x5880;
	s20 =	simm.s32 $0x6080;
	s18 =	simm.s32 $0x6880  }
0xfe: {  	s17 =	simm.s32 $0x7080;
	s16 =	simm.s32 $0xA080;
	s14 =	simm.s32 $0x9880  }
0xff: {  	s13 =	simm.s32 $0x7880;
	s12 =	simm.s32 $0xB080;
	s11 =	simm.s32 $0xA880  }
0x100: {  	s10 =	simm.s32 $0x8080;
	s9 =	simm.s32 $0x8880;
	s8 =	simm.s32 $0x9080  }
.LBB2_3:
0x101: {  	s7 =	simm.s32 $0x880;
	s31 =	simm.s32 $0x1080;
	s30 =	simm.s32 $0x1880  }
0x102: {  	s29 =	simm.s32 $0x2080;
	s28 =	simm.s32 $0x2880;
	s26 =	simm.s32 $0x3080  }
0x103: {  	s25 =	simm.s32 $0x3880;
	s24 =	simm.s32 $0x4080;
	s23 =	simm.s32 $0x4880  }
.Ltmp4:
0x104: {  	s22 =	simm.s32 $0x5080;
	s21 =	simm.s32 $0x5880;
	(pc) =	sbr.rel .LBB2_6-.Ltmp4, $4  }
0x105: {  	s20 =	simm.s32 $0x6080;
	s18 =	simm.s32 $0x6880;
	s17 =	simm.s32 $0x7080  }
0x106: {  	s16 =	simm.s32 $0xA080;
	s14 =	simm.s32 $0x9880;
	s13 =	simm.s32 $0x7880  }
0x107: {  	s12 =	simm.s32 $0xB080;
	s11 =	simm.s32 $0xA880;
	s10 =	simm.s32 $0x8080  }
0x108: {  	s9 =	simm.s32 $0x8880;
	s8 =	simm.s32 $0x9080;
	s19 =	stileid.u32  }
.Lfunc_end2:
_tile_overlayer_lowered:
.L_overlay_start_2:
0x109: {  	(tag) =	ssettag $0x2  }
0x10a: {  	s0 =	rddreg [dreg:$0x0];
	s2 =	stileid.u32  }
0x10b: {  	s1 =	rddreg [dreg:$0x1];
	p0 =	sne.s32 s2, $0x0  }
0x10c: {  	s3 =	rddreg [dreg:$0x2];
	[bflag:$0x3] =	sbarrier.arrive $0xFFFF;
	s2 =	simm.s32 @!p0 $0x1C02  }
0x10d: {  	[timem:s3], [sflag:s2] =	dma.local @!p0 [hbm:s0], s1  }
0x10e: {  	s0 =	simm.s32 @!p0 $0x2  }
0x10f: {  	_ =	swait.ge @!p0 [sflag:s0], s1  }
0x110: {  	s1 =	ssub.s32 @!p0 $0x0, s1;
	[sflag:s0] =	ssyncset.done @!p0 $0x0  }
0x111: {  	[sflag:s0] =	ssyncadd.s32 @!p0 s1  }
0x112: {  	[bflag:$0x3] =	sbarrier.arrive $0xFFFF  }
0x113: {  	_ =	shalt  }

</sc_bundles>
